<compile_context>
chip_gen: v7x
topology: tpu7x:2x2x1
jax: 0.10.2.dev20260603
libtpu: 0.0.44.dev20260713+nightly
codegen_flags: <defaults>
</compile_context>

<pallas_src>
import functools

import jax
import jax.numpy as jnp
import numpy as np
from jax import lax
from jax.experimental import pallas as pl
from jax.experimental.pallas import tpu as pltpu
from jax.experimental.pallas import tpu_sc as plsc

N = 32768
E = 64
D = 256
CAP = 640
ECAP = E * CAP
TB = 512
NBLK = N // TB
XYZ_FREQ = 12
DIR_FREQ = 4
REC = 128

SC_NC = 2
SC_NS = 16
NW = SC_NC * SC_NS
CHUNK = 128

XBUF_ROWS = ECAP + 256
TBL_ROWS = ECAP
BCH = 512


def _bounce(src, dst, vbuf, rows, src0, dst0):
    off = 0
    while rows > 0:
        take = min(BCH, rows)
        pltpu.sync_copy(src.at[pl.ds(src0 + off, take)],
                        vbuf.at[pl.ds(0, take)])
        pltpu.sync_copy(vbuf.at[pl.ds(0, take)],
                        dst.at[pl.ds(dst0 + off, take)])
        off += take
        rows -= take


def _posenc_perm(n_freqs):
    perm = list(range(3))
    for f in range(n_freqs):
        for c in range(3):
            perm.append(3 + 6 * f + c)
    for f in range(n_freqs):
        for c in range(3):
            perm.append(3 + 6 * f + 3 + c)
    return np.array(perm, dtype=np.int32)


def _posenc_packed(v, n_freqs):
    xf = jnp.concatenate([v * float(2.0 ** f) for f in range(n_freqs)],
                         axis=-1)
    return jnp.concatenate([v, jnp.sin(xf), jnp.cos(xf)], axis=-1)


def _k1_body(x_ref, wxyz_ref, bxyz_ref, weg1_ref, beg1_ref, weg2_ref,
             beg2_ref, lng_ref, lnb_ref, wg_ref,
             xs_ref, loc_ref, cloc_ref, cnt_ref):
    @pl.when(pl.program_id(0) == 0)
    def _():
        cnt_ref[...] = jnp.zeros((1, E), jnp.float32)

    xb = x_ref[...]
    xyz = xb[:, 0:3]
    pe = _posenc_packed(xyz, XYZ_FREQ)
    h = jnp.dot(pe, wxyz_ref[...], preferred_element_type=jnp.float32)
    h = h + bxyz_ref[...]

    eg = jnp.maximum(
        jnp.dot(h, weg1_ref[...], preferred_element_type=jnp.float32)
        + beg1_ref[...], 0.0)
    eg = jnp.dot(eg, weg2_ref[...], preferred_element_type=jnp.float32)
    eg = eg + beg2_ref[...]
    m = jnp.mean(eg, axis=-1, keepdims=True)
    v = jnp.mean((eg - m) ** 2, axis=-1, keepdims=True)
    gi = (eg - m) / jnp.sqrt(v + 1e-5) * lng_ref[...] + lnb_ref[...]

    logits = jnp.dot(gi, wg_ref[...], preferred_element_type=jnp.float32)
    lmax = jnp.max(logits, axis=-1, keepdims=True)
    score = 1.0 / jnp.sum(jnp.exp(logits - lmax), axis=-1, keepdims=True)

    eq = (logits == lmax).astype(jnp.float32)
    utri = (lax.broadcasted_iota(jnp.int32, (E, E), 0)
            <= lax.broadcasted_iota(jnp.int32, (E, E), 1)).astype(jnp.float32)
    csum1 = jnp.dot(eq, utri, preferred_element_type=jnp.float32)
    oh = eq * (csum1 == 1.0).astype(jnp.float32)

    ltri = (lax.broadcasted_iota(jnp.int32, (TB, TB), 0)
            >= lax.broadcasted_iota(jnp.int32, (TB, TB), 1)).astype(jnp.float32)
    csum0 = jnp.dot(ltri, oh, preferred_element_type=jnp.float32)
    pos_in = jnp.sum(csum0 * oh, axis=-1, keepdims=True) - 1.0

    cnt0 = cnt_ref[...]
    prev = lax.dot_general(oh, cnt0, (((1,), (1,)), ((), ())),
                           preferred_element_type=jnp.float32)
    pos = pos_in + prev
    cnt_ref[...] = cnt0 + jnp.sum(oh, axis=0, keepdims=True)

    col = lax.broadcasted_iota(jnp.int32, (TB, E), 1).astype(jnp.float32)
    idx_f = jnp.sum(oh * col, axis=-1, keepdims=True)
    keep = pos < float(CAP)
    loc_f = jnp.where(keep, idx_f * float(CAP) + pos, float(ECAP))
    loc_ref[...] = loc_f.astype(jnp.int32)
    cloc_ref[...] = jnp.minimum(loc_f.astype(jnp.int32), ECAP - 1)
    xs_ref[...] = jnp.concatenate(
        [xb, score, jnp.zeros((TB, REC - 8), jnp.float32)], axis=-1)


def _run_k1(x, W_xyz_p, b_xyz, W_eg1, b_eg1, W_eg2, b_eg2, ln_g, ln_b, Wg):
    full = lambda shape: pl.BlockSpec(shape, lambda i: (0,) * len(shape))
    return pl.pallas_call(
        _k1_body,
        grid=(NBLK,),
        in_specs=[
            pl.BlockSpec((TB, 7), lambda i: (i, 0)),
            full((75, D)), full((D,)), full((D, D)), full((D,)),
            full((D, D)), full((D,)), full((D,)), full((D,)), full((D, E)),
        ],
        out_specs=[
            pl.BlockSpec((TB, REC), lambda i: (i, 0)),
            pl.BlockSpec((TB, 1), lambda i: (i, 0)),
            pl.BlockSpec((TB, 1), lambda i: (i, 0)),
        ],
        out_shape=[
            jax.ShapeDtypeStruct((N, REC), jnp.float32),
            jax.ShapeDtypeStruct((N, 1), jnp.int32),
            jax.ShapeDtypeStruct((N, 1), jnp.int32),
        ],
        scratch_shapes=[pltpu.VMEM((1, E), jnp.float32)],
        compiler_params=pltpu.CompilerParams(
            dimension_semantics=("arbitrary",)),
    )(x, W_xyz_p, b_xyz, W_eg1, b_eg1, W_eg2, b_eg2, ln_g, ln_b, Wg)


NBUF = 3
NCHUNK = N // NW // CHUNK
TOK_PER_W = N // NW


def _k2_body(xs_hbm, loc_hbm, xbuf_hbm, idx_v, b0, b1, b2, lsem, ssem):
    wid = lax.axis_index("s") * SC_NC + lax.axis_index("c")
    bufs = [b0, b1, b2]
    pltpu.sync_copy(loc_hbm.at[pl.ds(wid * NCHUNK, NCHUNK)], idx_v)
    loads, scats = {}, {}
    for c in range(NBUF):
        base = wid * TOK_PER_W + c * CHUNK
        loads[c] = pltpu.async_copy(
            xs_hbm.at[pl.ds(base, CHUNK)], bufs[c], lsem)
    for c in range(NCHUNK):
        if c >= NBUF:
            scats[c - NBUF].wait()
            base = wid * TOK_PER_W + c * CHUNK
            loads[c] = pltpu.async_copy(
                xs_hbm.at[pl.ds(base, CHUNK)], bufs[c % NBUF], lsem)
        loads[c].wait()
        scats[c] = pltpu.async_copy(
            bufs[c % NBUF], xbuf_hbm.at[idx_v.at[c]], ssem)
    for c in range(NCHUNK - NBUF, NCHUNK):
        scats[c].wait()


def _run_k2(xs, loc):
    mesh = plsc.VectorSubcoreMesh(core_axis_name="c", subcore_axis_name="s",
                                  num_cores=SC_NC, num_subcores=SC_NS)
    f = functools.partial(
        pl.kernel, mesh=mesh,
        out_type=jax.ShapeDtypeStruct((XBUF_ROWS, REC), jnp.float32),
        scratch_types=[
            pltpu.VMEM((NCHUNK, CHUNK), jnp.int32),
            pltpu.VMEM((CHUNK, REC), jnp.float32),
            pltpu.VMEM((CHUNK, REC), jnp.float32),
            pltpu.VMEM((CHUNK, REC), jnp.float32),
            pltpu.SemaphoreType.DMA,
            pltpu.SemaphoreType.DMA,
        ],
    )(_k2_body)
    return f(xs, loc.reshape(N // CHUNK, CHUNK))


def _k3_body(xbuf_ref, wxyz_ref, bxyz_ref, wpre_ref, bpre_ref, wskip_ref,
             bskip_ref, wpost_ref, bpost_ref, w1_ref, b1_ref, w2_ref,
             b2_ref, wsig_ref, bsig_ref, wcol_ref, bcol_ref, emb_ref,
             out_ref):
    xb = xbuf_ref[...]
    xyz = xb[:, 0:3]
    pe = _posenc_packed(xyz, XYZ_FREQ)
    h = jnp.dot(pe, wxyz_ref[...], preferred_element_type=jnp.float32)
    h = h + bxyz_ref[...]

    hb = h
    for j in range(3):
        hb = jnp.maximum(
            jnp.dot(hb, wpre_ref[0, j], preferred_element_type=jnp.float32)
            + bpre_ref[0, j], 0.0)
    hb2 = jnp.concatenate([h, hb], axis=-1)
    hb = jnp.maximum(
        jnp.dot(hb2, wskip_ref[0], preferred_element_type=jnp.float32)
        + bskip_ref[0, 0], 0.0)
    for j in range(3):
        hb = jnp.maximum(
            jnp.dot(hb, wpost_ref[0, j], preferred_element_type=jnp.float32)
            + bpost_ref[0, j], 0.0)

    score = xb[:, 7:8]
    hp = jnp.maximum(hb * score, 0.0)
    sigma = jnp.maximum(
        jnp.dot(hp, wsig_ref[...], preferred_element_type=jnp.float32)
        + bsig_ref[...], 0.0)
    h1 = jnp.dot(hp, w1_ref[...], preferred_element_type=jnp.float32)
    h1 = h1 + b1_ref[...]
    de = _posenc_packed(xb[:, 3:6], DIR_FREQ)
    aid = xb[:, 6:7]
    acol = lax.broadcasted_iota(jnp.int32, (CAP, 1024), 1).astype(jnp.float32)
    aoh = (acol == aid).astype(jnp.float32)
    app = jnp.dot(aoh, emb_ref[...], preferred_element_type=jnp.float32)
    feat = jnp.concatenate([h1, de, app], axis=-1)
    h2 = jnp.maximum(
        jnp.dot(feat, w2_ref[...], preferred_element_type=jnp.float32)
        + b2_ref[...], 0.0)
    rgb = jax.nn.sigmoid(
        jnp.dot(h2, wcol_ref[...], preferred_element_type=jnp.float32)
        + bcol_ref[...])
    out_ref[...] = jnp.concatenate(
        [rgb, sigma, jnp.zeros((CAP, REC - 4), jnp.float32)], axis=-1)


def _run_k3(xbuf, W_xyz_p, b_xyz, We_pre, be_pre, We_skip, be_skip, We_post,
            be_post, W1, b1, W2_p, b2, Wsig, bsig, Wcol, bcol, emb_a):
    full = lambda shape: pl.BlockSpec(shape, lambda e: (0,) * len(shape))
    return pl.pallas_call(
        _k3_body,
        grid=(E,),
        in_specs=[
            pl.BlockSpec((CAP, REC), lambda e: (e, 0)),
            full((75, D)), full((D,)),
            pl.BlockSpec((1, 3, D, D), lambda e: (e, 0, 0, 0)),
            pl.BlockSpec((1, 3, D), lambda e: (e, 0, 0)),
            pl.BlockSpec((1, 2 * D, D), lambda e: (e, 0, 0)),
            pl.BlockSpec((1, 1, D), lambda e: (e, 0, 0)),
            pl.BlockSpec((1, 3, D, D), lambda e: (e, 0, 0, 0)),
            pl.BlockSpec((1, 3, D), lambda e: (e, 0, 0)),
            full((D, D)), full((D,)), full((331, 128)), full((128,)),
            full((D, 1)), full((1,)), full((128, 3)), full((3,)),
            full((1024, 48)),
        ],
        out_specs=pl.BlockSpec((CAP, REC), lambda e: (e, 0)),
        out_shape=jax.ShapeDtypeStruct((ECAP, REC), jnp.float32),
        compiler_params=pltpu.CompilerParams(
            dimension_semantics=("arbitrary",)),
    )(xbuf, W_xyz_p, b_xyz, We_pre, be_pre, We_skip,
      be_skip.reshape(E, 1, D), We_post, be_post, W1, b1, W2_p, b2,
      Wsig, bsig, Wcol, bcol, emb_a)


def _k5d_body(x_ref, b1_ref, w2_ref, b2_ref, bsig_ref, wcol_ref, bcol_ref,
              emb_ref, out_ref):
    xb = x_ref[...]
    de = _posenc_packed(xb[:, 3:6], DIR_FREQ)
    aid = xb[:, 6:7]
    acol = lax.broadcasted_iota(jnp.int32, (TB, 1024), 1).astype(jnp.float32)
    aoh = (acol == aid).astype(jnp.float32)
    app = jnp.dot(aoh, emb_ref[...], preferred_element_type=jnp.float32)
    h1 = jnp.zeros((TB, D), jnp.float32) + b1_ref[...]
    feat = jnp.concatenate([h1, de, app], axis=-1)
    h2 = jnp.maximum(
        jnp.dot(feat, w2_ref[...], preferred_element_type=jnp.float32)
        + b2_ref[...], 0.0)
    rgb = jax.nn.sigmoid(
        jnp.dot(h2, wcol_ref[...], preferred_element_type=jnp.float32)
        + bcol_ref[...])
    sigma = jnp.zeros((TB, 1), jnp.float32) + jnp.maximum(bsig_ref[...], 0.0)
    out_ref[...] = jnp.concatenate(
        [rgb, sigma, jnp.zeros((TB, REC - 4), jnp.float32)], axis=-1)


def _run_k5d(x, b1, W2_p, b2, bsig, Wcol, bcol, emb_a):
    full = lambda shape: pl.BlockSpec(shape, lambda i: (0,) * len(shape))
    return pl.pallas_call(
        _k5d_body,
        grid=(NBLK,),
        in_specs=[
            pl.BlockSpec((TB, 7), lambda i: (i, 0)),
            full((D,)), full((331, 128)), full((128,)), full((1,)),
            full((128, 3)), full((3,)), full((1024, 48)),
        ],
        out_specs=pl.BlockSpec((TB, REC), lambda i: (i, 0)),
        out_shape=jax.ShapeDtypeStruct((N, REC), jnp.float32),
        compiler_params=pltpu.CompilerParams(
            dimension_semantics=("arbitrary",)),
    )(x, b1, W2_p, b2, bsig, Wcol, bcol, emb_a)


def _k4_body(slots_hbm, cloc_hbm, o_hbm, idx_v, g0, g1, g2, gsem, ssem):
    wid = lax.axis_index("s") * SC_NC + lax.axis_index("c")
    gbufs = [g0, g1, g2]
    pltpu.sync_copy(cloc_hbm.at[pl.ds(wid * NCHUNK, NCHUNK)], idx_v)
    gaths, stores = {}, {}
    for c in range(NBUF):
        gaths[c] = pltpu.async_copy(
            slots_hbm.at[idx_v.at[c]], gbufs[c], gsem)
    for c in range(NCHUNK):
        if c >= NBUF:
            stores[c - NBUF].wait()
            gaths[c] = pltpu.async_copy(
                slots_hbm.at[idx_v.at[c]], gbufs[c % NBUF], gsem)
        gaths[c].wait()
        base = wid * TOK_PER_W + c * CHUNK
        stores[c] = pltpu.async_copy(
            gbufs[c % NBUF], o_hbm.at[pl.ds(base, CHUNK)], ssem)
    for c in range(NCHUNK - NBUF, NCHUNK):
        stores[c].wait()


def _run_k4(slots, cloc):
    mesh = plsc.VectorSubcoreMesh(core_axis_name="c", subcore_axis_name="s",
                                  num_cores=SC_NC, num_subcores=SC_NS)
    f = functools.partial(
        pl.kernel, mesh=mesh,
        out_type=jax.ShapeDtypeStruct((N, REC), jnp.float32),
        scratch_types=[
            pltpu.VMEM((NCHUNK, CHUNK), jnp.int32),
            pltpu.VMEM((CHUNK, REC), jnp.float32),
            pltpu.VMEM((CHUNK, REC), jnp.float32),
            pltpu.VMEM((CHUNK, REC), jnp.float32),
            pltpu.SemaphoreType.DMA,
            pltpu.SemaphoreType.DMA,
        ],
    )(_k4_body)
    return f(slots, cloc.reshape(N // CHUNK, CHUNK))


def _k6_body(o_ref, drop_ref, loc_ref, out_ref):
    keep = loc_ref[...] < ECAP
    out_ref[...] = jnp.where(keep, o_ref[...][:, 0:4],
                             drop_ref[...][:, 0:4])


def _run_k6(o8, drop, loc):
    return pl.pallas_call(
        _k6_body,
        grid=(NBLK,),
        in_specs=[
            pl.BlockSpec((TB, REC), lambda i: (i, 0)),
            pl.BlockSpec((TB, REC), lambda i: (i, 0)),
            pl.BlockSpec((TB, 1), lambda i: (i, 0)),
        ],
        out_specs=pl.BlockSpec((TB, 4), lambda i: (i, 0)),
        out_shape=jax.ShapeDtypeStruct((N, 4), jnp.float32),
        compiler_params=pltpu.CompilerParams(
            dimension_semantics=("arbitrary",)),
    )(o8, drop, loc)


def kernel(x, W_xyz, b_xyz, W_eg1, b_eg1, W_eg2, b_eg2, ln_g, ln_b, Wg,
           We_pre, be_pre, We_skip, be_skip, We_post, be_post, W1, b1,
           W2, b2, Wsig, bsig, Wcol, bcol, emb_a):
    W_xyz_p = W_xyz[_posenc_perm(XYZ_FREQ)]
    dperm = _posenc_perm(DIR_FREQ)
    W2_p = jnp.concatenate(
        [W2[0:256], W2[256:283][dperm], W2[283:331]], axis=0)
    xs, loc, cloc = _run_k1(x, W_xyz_p, b_xyz, W_eg1, b_eg1, W_eg2, b_eg2,
                            ln_g, ln_b, Wg)
    xbuf = _run_k2(xs, loc.reshape(N))
    slots = _run_k3(xbuf[:ECAP], W_xyz_p, b_xyz, We_pre, be_pre, We_skip,
                    be_skip, We_post, be_post, W1, b1, W2_p, b2, Wsig,
                    bsig, Wcol, bcol, emb_a)
    drop = _run_k5d(x, b1, W2_p, b2, bsig, Wcol, bcol, emb_a)
    o8 = slots[cloc.reshape(N)]
    return _run_k6(o8, drop, loc)

# --- scband reference (transcript-rebuilt; emitter-appended) ---
"""Pipeline reference for scband-ne-rfmo-etorch-81990925680843 (READ-ONLY COPY).

The authoritative reference and input builder live on the scoring server;
editing this copy changes nothing except your own understanding.
"""

import jax, jax.numpy as jnp
import numpy as np
import math

N_PTS = 32768
E = 64
D = 256
CAP_FACTOR = 1.25
APP_COUNT = 1024
APP_DIM = 48
XYZ_FREQ = 12
DIR_FREQ = 4

def posenc(x, n_freqs):
    freqs = 2.0 ** jnp.arange(n_freqs, dtype=jnp.float32)
    xf = x[:, None, :] * freqs[None, :, None]
    enc = jnp.concatenate([jnp.sin(xf), jnp.cos(xf)], axis=-1)
    return jnp.concatenate([x, enc.reshape(x.shape[0], -1)], axis=-1)

def layernorm(x, g, b):
    m = jnp.mean(x, axis=-1, keepdims=True)
    v = jnp.var(x, axis=-1, keepdims=True)
    return (x - m) / jnp.sqrt(v + 1e-5) * g + b

def setup_inputs(seed: int = 0):
    key = jax.random.key(seed)
    ks = jax.random.split(key, 32)
    def lin(k, din, dout):
        return jax.random.normal(k, (din, dout), dtype=jnp.float32) / np.sqrt(din)
    xyz = jax.random.normal(ks[0], (N_PTS, 3), dtype=jnp.float32)
    dirs = jax.random.normal(ks[1], (N_PTS, 3), dtype=jnp.float32)
    app = jax.random.randint(ks[2], (N_PTS, 1), 0, APP_COUNT).astype(jnp.float32)
    x = jnp.concatenate([xyz, dirs, app], axis=-1)
    inp = {'x': x}
    inp['W_xyz'] = lin(ks[3], 75, D); inp['b_xyz'] = jnp.zeros((D,), jnp.float32)
    inp['W_eg1'] = lin(ks[4], D, D); inp['b_eg1'] = jnp.zeros((D,), jnp.float32)
    inp['W_eg2'] = lin(ks[5], D, D); inp['b_eg2'] = jnp.zeros((D,), jnp.float32)
    inp['ln_g'] = jnp.ones((D,), jnp.float32); inp['ln_b'] = jnp.zeros((D,), jnp.float32)
    inp['Wg'] = lin(ks[6], D, E)
    inp['We_pre'] = jax.random.normal(ks[7], (E, 3, D, D), dtype=jnp.float32) / np.sqrt(D)
    inp['be_pre'] = jnp.zeros((E, 3, D), jnp.float32)
    inp['We_skip'] = jax.random.normal(ks[8], (E, 2 * D, D), dtype=jnp.float32) / np.sqrt(2 * D)
    inp['be_skip'] = jnp.zeros((E, D), jnp.float32)
    inp['We_post'] = jax.random.normal(ks[9], (E, 3, D, D), dtype=jnp.float32) / np.sqrt(D)
    inp['be_post'] = jnp.zeros((E, 3, D), jnp.float32)
    inp['W1'] = lin(ks[10], D, D); inp['b1'] = jnp.zeros((D,), jnp.float32)
    inp['W2'] = lin(ks[11], 331, 128); inp['b2'] = jnp.zeros((128,), jnp.float32)
    inp['Wsig'] = lin(ks[12], D, 1); inp['bsig'] = jnp.zeros((1,), jnp.float32)
    inp['Wcol'] = lin(ks[13], 128, 3); inp['bcol'] = jnp.zeros((3,), jnp.float32)
    inp['emb_a'] = jax.random.normal(ks[14], (APP_COUNT, APP_DIM), dtype=jnp.float32) * 0.02
    return inp

def _moe(h, gate_input, Wg, We_pre, be_pre, We_skip, be_skip, We_post, be_post):
    n = h.shape[0]; e = Wg.shape[1]
    cap = int(math.ceil(n / e * CAP_FACTOR))
    logits = gate_input.astype(jnp.float32) @ Wg
    probs = jax.nn.softmax(logits, axis=-1)
    idx = jnp.argmax(logits, axis=-1)
    score = jnp.take_along_axis(probs, idx[:, None], axis=-1)[:, 0]
    oh = jax.nn.one_hot(idx, e, dtype=jnp.int32)
    pos = jnp.sum(jnp.cumsum(oh, axis=0) * oh, axis=-1) - 1
    keep = pos < cap
    loc = jnp.where(keep, idx * cap + pos, e * cap)
    buf = jnp.zeros((e * cap + 1, h.shape[1]), dtype=h.dtype).at[loc].set(h)
    xin = buf[:-1].reshape(e, cap, -1)
    hb = xin
    for j in range(3):
        hb = jax.nn.relu(jnp.einsum('eci,eio->eco', hb, We_pre[:, j]) + be_pre[:, j][:, None, :])
    hb = jnp.concatenate([xin, hb], axis=-1)
    hb = jax.nn.relu(jnp.einsum('eci,eio->eco', hb, We_skip) + be_skip[:, None, :])
    for j in range(3):
        hb = jax.nn.relu(jnp.einsum('eci,eio->eco', hb, We_post[:, j]) + be_post[:, j][:, None, :])
    flat = hb.reshape(e * cap, -1)
    y = jnp.take(flat, jnp.minimum(loc, e * cap - 1), axis=0)
    y = jnp.where(keep[:, None], y, 0.0)
    return y * score[:, None]

def reference(x, W_xyz, b_xyz, W_eg1, b_eg1, W_eg2, b_eg2, ln_g, ln_b, Wg, We_pre, be_pre, We_skip, be_skip, We_post, be_post, W1, b1, W2, b2, Wsig, bsig, Wcol, bcol, emb_a):
    input_xyz = posenc(x[:, :3], XYZ_FREQ)
    h = input_xyz @ W_xyz + b_xyz
    eg = jax.nn.relu(h @ W_eg1 + b_eg1) @ W_eg2 + b_eg2
    gate_input = layernorm(eg, ln_g, ln_b)
    h = _moe(h, gate_input, Wg, We_pre, be_pre, We_skip, be_skip, We_post, be_post)
    h = jax.nn.relu(h)
    sigma = jax.nn.relu(h @ Wsig + bsig)
    h1 = h @ W1 + b1
    dir_enc = posenc(x[:, 3:6], DIR_FREQ)
    app = jnp.take(emb_a, x[:, 6].astype(jnp.int32), axis=0)
    feat = jnp.concatenate([h1, dir_enc, app], axis=-1)
    h2 = jax.nn.relu(feat @ W2 + b2)
    rgb = jax.nn.sigmoid(h2 @ Wcol + bcol)
    return jnp.concatenate([rgb, sigma], axis=-1)

if __name__ == "__main__":
    import jax
    _d = setup_inputs()
    print(jax.jit(kernel)(*tuple(_d.values())))

</pallas_src>

<mosaic_0001>
#map = affine_map<(d0, d1) -> (0, 0)>
module attributes {stable_mosaic.version = 14 : i64} {
  func.func @_k2_body(%arg0: i32, %arg1: i32, %arg2: memref<32768x128xf32, #tpu.memory_space<hbm>>, %arg3: memref<256x128xi32, #tpu.memory_space<hbm>>, %arg4: memref<41216x128xf32, #tpu.memory_space<hbm>>, %arg5: memref<8x128xi32, #tpu.memory_space<vmem>>, %arg6: memref<128x128xf32, #tpu.memory_space<vmem>>, %arg7: memref<128x128xf32, #tpu.memory_space<vmem>>, %arg8: memref<128x128xf32, #tpu.memory_space<vmem>>, %arg9: memref<!tpu.dma_semaphore, #tpu.memory_space<semaphore_mem>>, %arg10: memref<!tpu.dma_semaphore, #tpu.memory_space<semaphore_mem>>) attributes {dimension_semantics = [#tpu.dimension_semantics<core_parallel>, #tpu.dimension_semantics<subcore_parallel>], iteration_bounds = array<i64: 2, 16>, scalar_prefetch = 0 : i64, scratch_operands = 6 : i64, tpu.core_type = #tpu.core_type<sc_vector_subcore>, window_params = [{transform_indices = #map}, {transform_indices = #map}, {transform_indices = #map}]} {
    %mul3A = arith.constant 2 : i32
    %mul3A_0 = arith.muli %arg1, %mul3A : i32
    %add3A = arith.addi %mul3A_0, %arg0 : i32
    %mul3A_1 = arith.constant 8 : i32
    %mul3A_2 = arith.muli %add3A, %mul3A_1 : i32
    "tpu.region"() ({
      %run_scoped3A = tpu.sem_alloc : memref<!tpu.dma_semaphore, #tpu.memory_space<semaphore_mem>>
      %dma_start3A_209 = arith.constant 0 : i32
      %dma_start3A_210 = tpu.memref_slice %arg3[%mul3A_2, %dma_start3A_209] : memref<256x128xi32, #tpu.memory_space<hbm>> -> memref<8x128xi32, #tpu.memory_space<hbm>>
      %dma_start3A_211 = arith.constant 0 : i32
      %dma_start3A_212 = tpu.memref_slice %arg3[%mul3A_2, %dma_start3A_211] : memref<256x128xi32, #tpu.memory_space<hbm>> -> memref<8x128xi32, #tpu.memory_space<hbm>>
      tpu.enqueue_dma source(%dma_start3A_212 : memref<8x128xi32, #tpu.memory_space<hbm>>) target(%arg5 : memref<8x128xi32, #tpu.memory_space<vmem>>) target_semaphore(%run_scoped3A : memref<!tpu.dma_semaphore, #tpu.memory_space<semaphore_mem>>)
      %dma_wait3A_213 = arith.constant 0 : i32
      %dma_wait3A_214 = tpu.memref_slice %arg3[%mul3A_2, %dma_wait3A_213] : memref<256x128xi32, #tpu.memory_space<hbm>> -> memref<8x128xi32, #tpu.memory_space<hbm>>
      %dma_wait3A_215 = arith.constant 0 : i32
      %dma_wait3A_216 = tpu.memref_slice %arg3[%mul3A_2, %dma_wait3A_215] : memref<256x128xi32, #tpu.memory_space<hbm>> -> memref<8x128xi32, #tpu.memory_space<hbm>>
      tpu.wait_dma2 semaphore(%run_scoped3A : memref<!tpu.dma_semaphore, #tpu.memory_space<semaphore_mem>>) src(%dma_wait3A_216 : memref<8x128xi32, #tpu.memory_space<hbm>>) dst(%arg5 : memref<8x128xi32, #tpu.memory_space<vmem>>)
      tpu.yield
    }) : () -> ()
    %mul3A_3 = arith.constant 1024 : i32
    %mul3A_4 = arith.muli %add3A, %mul3A_3 : i32
    %add3A_5 = arith.constant 0 : i32
    %add3A_6 = arith.addi %mul3A_4, %add3A_5 : i32
    %dma_start3A = arith.constant 0 : i32
    %dma_start3A_7 = tpu.memref_slice %arg2[%add3A_6, %dma_start3A] : memref<32768x128xf32, #tpu.memory_space<hbm>> -> memref<128x128xf32, #tpu.memory_space<hbm>>
    %dma_start3A_8 = arith.constant 0 : i32
    %dma_start3A_9 = tpu.memref_slice %arg2[%add3A_6, %dma_start3A_8] : memref<32768x128xf32, #tpu.memory_space<hbm>> -> memref<128x128xf32, #tpu.memory_space<hbm>>
    tpu.enqueue_dma source(%dma_start3A_9 : memref<128x128xf32, #tpu.memory_space<hbm>>) target(%arg6 : memref<128x128xf32, #tpu.memory_space<vmem>>) target_semaphore(%arg9 : memref<!tpu.dma_semaphore, #tpu.memory_space<semaphore_mem>>)
    %mul3A_10 = arith.constant 1024 : i32
    %mul3A_11 = arith.muli %add3A, %mul3A_10 : i32
    %add3A_12 = arith.constant 128 : i32
    %add3A_13 = arith.addi %mul3A_11, %add3A_12 : i32
    %dma_start3A_14 = arith.constant 0 : i32
    %dma_start3A_15 = tpu.memref_slice %arg2[%add3A_13, %dma_start3A_14] : memref<32768x128xf32, #tpu.memory_space<hbm>> -> memref<128x128xf32, #tpu.memory_space<hbm>>
    %dma_start3A_16 = arith.constant 0 : i32
    %dma_start3A_17 = tpu.memref_slice %arg2[%add3A_13, %dma_start3A_16] : memref<32768x128xf32, #tpu.memory_space<hbm>> -> memref<128x128xf32, #tpu.memory_space<hbm>>
    tpu.enqueue_dma source(%dma_start3A_17 : memref<128x128xf32, #tpu.memory_space<hbm>>) target(%arg7 : memref<128x128xf32, #tpu.memory_space<vmem>>) target_semaphore(%arg9 : memref<!tpu.dma_semaphore, #tpu.memory_space<semaphore_mem>>)
    %mul3A_18 = arith.constant 1024 : i32
    %mul3A_19 = arith.muli %add3A, %mul3A_18 : i32
    %add3A_20 = arith.constant 256 : i32
    %add3A_21 = arith.addi %mul3A_19, %add3A_20 : i32
    %dma_start3A_22 = arith.constant 0 : i32
    %dma_start3A_23 = tpu.memref_slice %arg2[%add3A_21, %dma_start3A_22] : memref<32768x128xf32, #tpu.memory_space<hbm>> -> memref<128x128xf32, #tpu.memory_space<hbm>>
    %dma_start3A_24 = arith.constant 0 : i32
    %dma_start3A_25 = tpu.memref_slice %arg2[%add3A_21, %dma_start3A_24] : memref<32768x128xf32, #tpu.memory_space<hbm>> -> memref<128x128xf32, #tpu.memory_space<hbm>>
    tpu.enqueue_dma source(%dma_start3A_25 : memref<128x128xf32, #tpu.memory_space<hbm>>) target(%arg8 : memref<128x128xf32, #tpu.memory_space<vmem>>) target_semaphore(%arg9 : memref<!tpu.dma_semaphore, #tpu.memory_space<semaphore_mem>>)
    %dma_wait3A = arith.constant 0 : i32
    %dma_wait3A_26 = tpu.memref_slice %arg2[%add3A_6, %dma_wait3A] : memref<32768x128xf32, #tpu.memory_space<hbm>> -> memref<128x128xf32, #tpu.memory_space<hbm>>
    %dma_wait3A_27 = arith.constant 0 : i32
    %dma_wait3A_28 = tpu.memref_slice %arg2[%add3A_6, %dma_wait3A_27] : memref<32768x128xf32, #tpu.memory_space<hbm>> -> memref<128x128xf32, #tpu.memory_space<hbm>>
    tpu.wait_dma2 semaphore(%arg9 : memref<!tpu.dma_semaphore, #tpu.memory_space<semaphore_mem>>) src(%dma_wait3A_28 : memref<128x128xf32, #tpu.memory_space<hbm>>) dst(%arg6 : memref<128x128xf32, #tpu.memory_space<vmem>>)
    %dma_start3A_29 = arith.constant 0 : i32
    %dma_start3A_30 = arith.constant 0 : i32
    %dma_start3A_31 = tpu.memref_slice %arg5[%dma_start3A_29, %dma_start3A_30] : memref<8x128xi32, #tpu.memory_space<vmem>> -> memref<1x128xi32, #tpu.memory_space<vmem>>
    %dma_start3A_32 = tpu.memref_squeeze %dma_start3A_31 : memref<1x128xi32, #tpu.memory_space<vmem>> -> memref<128xi32, #tpu.memory_space<vmem>>
    %dma_start3A_33 = arith.constant 0 : i32
    %dma_start3A_34 = arith.constant 0 : i32
    %dma_start3A_35 = tpu.memref_slice %arg4[%dma_start3A_33, %dma_start3A_34] : memref<41216x128xf32, #tpu.memory_space<hbm>> -> memref<41216x128xf32, #tpu.memory_space<hbm>>
    tpu.enqueue_indirect_dma source(%arg6 : memref<128x128xf32, #tpu.memory_space<vmem>>) target(%dma_start3A_35 : memref<41216x128xf32, #tpu.memory_space<hbm>>) offsets(%dma_start3A_32 : memref<128xi32, #tpu.memory_space<vmem>>) semaphore(%arg10 : memref<!tpu.dma_semaphore, #tpu.memory_space<semaphore_mem>>)
    %dma_wait3A_36 = arith.constant 0 : i32
    %dma_wait3A_37 = tpu.memref_slice %arg2[%add3A_13, %dma_wait3A_36] : memref<32768x128xf32, #tpu.memory_space<hbm>> -> memref<128x128xf32, #tpu.memory_space<hbm>>
    %dma_wait3A_38 = arith.constant 0 : i32
    %dma_wait3A_39 = tpu.memref_slice %arg2[%add3A_13, %dma_wait3A_38] : memref<32768x128xf32, #tpu.memory_space<hbm>> -> memref<128x128xf32, #tpu.memory_space<hbm>>
    tpu.wait_dma2 semaphore(%arg9 : memref<!tpu.dma_semaphore, #tpu.memory_space<semaphore_mem>>) src(%dma_wait3A_39 : memref<128x128xf32, #tpu.memory_space<hbm>>) dst(%arg7 : memref<128x128xf32, #tpu.memory_space<vmem>>)
    %dma_start3A_40 = arith.constant 1 : i32
    %dma_start3A_41 = arith.constant 0 : i32
    %dma_start3A_42 = tpu.memref_slice %arg5[%dma_start3A_40, %dma_start3A_41] : memref<8x128xi32, #tpu.memory_space<vmem>> -> memref<1x128xi32, #tpu.memory_space<vmem>>
    %dma_start3A_43 = tpu.memref_squeeze %dma_start3A_42 : memref<1x128xi32, #tpu.memory_space<vmem>> -> memref<128xi32, #tpu.memory_space<vmem>>
    %dma_start3A_44 = arith.constant 0 : i32
    %dma_start3A_45 = arith.constant 0 : i32
    %dma_start3A_46 = tpu.memref_slice %arg4[%dma_start3A_44, %dma_start3A_45] : memref<41216x128xf32, #tpu.memory_space<hbm>> -> memref<41216x128xf32, #tpu.memory_space<hbm>>
    tpu.enqueue_indirect_dma source(%arg7 : memref<128x128xf32, #tpu.memory_space<vmem>>) target(%dma_start3A_46 : memref<41216x128xf32, #tpu.memory_space<hbm>>) offsets(%dma_start3A_43 : memref<128xi32, #tpu.memory_space<vmem>>) semaphore(%arg10 : memref<!tpu.dma_semaphore, #tpu.memory_space<semaphore_mem>>)
    %dma_wait3A_47 = arith.constant 0 : i32
    %dma_wait3A_48 = tpu.memref_slice %arg2[%add3A_21, %dma_wait3A_47] : memref<32768x128xf32, #tpu.memory_space<hbm>> -> memref<128x128xf32, #tpu.memory_space<hbm>>
    %dma_wait3A_49 = arith.constant 0 : i32
    %dma_wait3A_50 = tpu.memref_slice %arg2[%add3A_21, %dma_wait3A_49] : memref<32768x128xf32, #tpu.memory_space<hbm>> -> memref<128x128xf32, #tpu.memory_space<hbm>>
    tpu.wait_dma2 semaphore(%arg9 : memref<!tpu.dma_semaphore, #tpu.memory_space<semaphore_mem>>) src(%dma_wait3A_50 : memref<128x128xf32, #tpu.memory_space<hbm>>) dst(%arg8 : memref<128x128xf32, #tpu.memory_space<vmem>>)
    %dma_start3A_51 = arith.constant 2 : i32
    %dma_start3A_52 = arith.constant 0 : i32
    %dma_start3A_53 = tpu.memref_slice %arg5[%dma_start3A_51, %dma_start3A_52] : memref<8x128xi32, #tpu.memory_space<vmem>> -> memref<1x128xi32, #tpu.memory_space<vmem>>
    %dma_start3A_54 = tpu.memref_squeeze %dma_start3A_53 : memref<1x128xi32, #tpu.memory_space<vmem>> -> memref<128xi32, #tpu.memory_space<vmem>>
    %dma_start3A_55 = arith.constant 0 : i32
    %dma_start3A_56 = arith.constant 0 : i32
    %dma_start3A_57 = tpu.memref_slice %arg4[%dma_start3A_55, %dma_start3A_56] : memref<41216x128xf32, #tpu.memory_space<hbm>> -> memref<41216x128xf32, #tpu.memory_space<hbm>>
    tpu.enqueue_indirect_dma source(%arg8 : memref<128x128xf32, #tpu.memory_space<vmem>>) target(%dma_start3A_57 : memref<41216x128xf32, #tpu.memory_space<hbm>>) offsets(%dma_start3A_54 : memref<128xi32, #tpu.memory_space<vmem>>) semaphore(%arg10 : memref<!tpu.dma_semaphore, #tpu.memory_space<semaphore_mem>>)
    %dma_wait3A_58 = arith.constant 0 : i32
    %dma_wait3A_59 = arith.constant 0 : i32
    %dma_wait3A_60 = tpu.memref_slice %arg5[%dma_wait3A_58, %dma_wait3A_59] : memref<8x128xi32, #tpu.memory_space<vmem>> -> memref<1x128xi32, #tpu.memory_space<vmem>>
    %dma_wait3A_61 = tpu.memref_squeeze %dma_wait3A_60 : memref<1x128xi32, #tpu.memory_space<vmem>> -> memref<128xi32, #tpu.memory_space<vmem>>
    %dma_wait3A_62 = arith.constant 0 : i32
    %dma_wait3A_63 = arith.constant 0 : i32
    %dma_wait3A_64 = tpu.memref_slice %arg4[%dma_wait3A_62, %dma_wait3A_63] : memref<41216x128xf32, #tpu.memory_space<hbm>> -> memref<41216x128xf32, #tpu.memory_space<hbm>>
    tpu.wait_indirect_dma semaphore(%arg10 : memref<!tpu.dma_semaphore, #tpu.memory_space<semaphore_mem>>) src(%arg6 : memref<128x128xf32, #tpu.memory_space<vmem>>) dst(%dma_wait3A_64 : memref<41216x128xf32, #tpu.memory_space<hbm>>)
    %mul3A_65 = arith.constant 1024 : i32
    %mul3A_66 = arith.muli %add3A, %mul3A_65 : i32
    %add3A_67 = arith.constant 384 : i32
    %add3A_68 = arith.addi %mul3A_66, %add3A_67 : i32
    %dma_start3A_69 = arith.constant 0 : i32
    %dma_start3A_70 = tpu.memref_slice %arg2[%add3A_68, %dma_start3A_69] : memref<32768x128xf32, #tpu.memory_space<hbm>> -> memref<128x128xf32, #tpu.memory_space<hbm>>
    %dma_start3A_71 = arith.constant 0 : i32
    %dma_start3A_72 = tpu.memref_slice %arg2[%add3A_68, %dma_start3A_71] : memref<32768x128xf32, #tpu.memory_space<hbm>> -> memref<128x128xf32, #tpu.memory_space<hbm>>
    tpu.enqueue_dma source(%dma_start3A_72 : memref<128x128xf32, #tpu.memory_space<hbm>>) target(%arg6 : memref<128x128xf32, #tpu.memory_space<vmem>>) target_semaphore(%arg9 : memref<!tpu.dma_semaphore, #tpu.memory_space<semaphore_mem>>)
    %dma_wait3A_73 = arith.constant 0 : i32
    %dma_wait3A_74 = tpu.memref_slice %arg2[%add3A_68, %dma_wait3A_73] : memref<32768x128xf32, #tpu.memory_space<hbm>> -> memref<128x128xf32, #tpu.memory_space<hbm>>
    %dma_wait3A_75 = arith.constant 0 : i32
    %dma_wait3A_76 = tpu.memref_slice %arg2[%add3A_68, %dma_wait3A_75] : memref<32768x128xf32, #tpu.memory_space<hbm>> -> memref<128x128xf32, #tpu.memory_space<hbm>>
    tpu.wait_dma2 semaphore(%arg9 : memref<!tpu.dma_semaphore, #tpu.memory_space<semaphore_mem>>) src(%dma_wait3A_76 : memref<128x128xf32, #tpu.memory_space<hbm>>) dst(%arg6 : memref<128x128xf32, #tpu.memory_space<vmem>>)
    %dma_start3A_77 = arith.constant 3 : i32
    %dma_start3A_78 = arith.constant 0 : i32
    %dma_start3A_79 = tpu.memref_slice %arg5[%dma_start3A_77, %dma_start3A_78] : memref<8x128xi32, #tpu.memory_space<vmem>> -> memref<1x128xi32, #tpu.memory_space<vmem>>
    %dma_start3A_80 = tpu.memref_squeeze %dma_start3A_79 : memref<1x128xi32, #tpu.memory_space<vmem>> -> memref<128xi32, #tpu.memory_space<vmem>>
    %dma_start3A_81 = arith.constant 0 : i32
    %dma_start3A_82 = arith.constant 0 : i32
    %dma_start3A_83 = tpu.memref_slice %arg4[%dma_start3A_81, %dma_start3A_82] : memref<41216x128xf32, #tpu.memory_space<hbm>> -> memref<41216x128xf32, #tpu.memory_space<hbm>>
    tpu.enqueue_indirect_dma source(%arg6 : memref<128x128xf32, #tpu.memory_space<vmem>>) target(%dma_start3A_83 : memref<41216x128xf32, #tpu.memory_space<hbm>>) offsets(%dma_start3A_80 : memref<128xi32, #tpu.memory_space<vmem>>) semaphore(%arg10 : memref<!tpu.dma_semaphore, #tpu.memory_space<semaphore_mem>>)
    %dma_wait3A_84 = arith.constant 1 : i32
    %dma_wait3A_85 = arith.constant 0 : i32
    %dma_wait3A_86 = tpu.memref_slice %arg5[%dma_wait3A_84, %dma_wait3A_85] : memref<8x128xi32, #tpu.memory_space<vmem>> -> memref<1x128xi32, #tpu.memory_space<vmem>>
    %dma_wait3A_87 = tpu.memref_squeeze %dma_wait3A_86 : memref<1x128xi32, #tpu.memory_space<vmem>> -> memref<128xi32, #tpu.memory_space<vmem>>
    %dma_wait3A_88 = arith.constant 0 : i32
    %dma_wait3A_89 = arith.constant 0 : i32
    %dma_wait3A_90 = tpu.memref_slice %arg4[%dma_wait3A_88, %dma_wait3A_89] : memref<41216x128xf32, #tpu.memory_space<hbm>> -> memref<41216x128xf32, #tpu.memory_space<hbm>>
    tpu.wait_indirect_dma semaphore(%arg10 : memref<!tpu.dma_semaphore, #tpu.memory_space<semaphore_mem>>) src(%arg7 : memref<128x128xf32, #tpu.memory_space<vmem>>) dst(%dma_wait3A_90 : memref<41216x128xf32, #tpu.memory_space<hbm>>)
    %mul3A_91 = arith.constant 1024 : i32
    %mul3A_92 = arith.muli %add3A, %mul3A_91 : i32
    %add3A_93 = arith.constant 512 : i32
    %add3A_94 = arith.addi %mul3A_92, %add3A_93 : i32
    %dma_start3A_95 = arith.constant 0 : i32
    %dma_start3A_96 = tpu.memref_slice %arg2[%add3A_94, %dma_start3A_95] : memref<32768x128xf32, #tpu.memory_space<hbm>> -> memref<128x128xf32, #tpu.memory_space<hbm>>
    %dma_start3A_97 = arith.constant 0 : i32
    %dma_start3A_98 = tpu.memref_slice %arg2[%add3A_94, %dma_start3A_97] : memref<32768x128xf32, #tpu.memory_space<hbm>> -> memref<128x128xf32, #tpu.memory_space<hbm>>
    tpu.enqueue_dma source(%dma_start3A_98 : memref<128x128xf32, #tpu.memory_space<hbm>>) target(%arg7 : memref<128x128xf32, #tpu.memory_space<vmem>>) target_semaphore(%arg9 : memref<!tpu.dma_semaphore, #tpu.memory_space<semaphore_mem>>)
    %dma_wait3A_99 = arith.constant 0 : i32
    %dma_wait3A_100 = tpu.memref_slice %arg2[%add3A_94, %dma_wait3A_99] : memref<32768x128xf32, #tpu.memory_space<hbm>> -> memref<128x128xf32, #tpu.memory_space<hbm>>
    %dma_wait3A_101 = arith.constant 0 : i32
    %dma_wait3A_102 = tpu.memref_slice %arg2[%add3A_94, %dma_wait3A_101] : memref<32768x128xf32, #tpu.memory_space<hbm>> -> memref<128x128xf32, #tpu.memory_space<hbm>>
    tpu.wait_dma2 semaphore(%arg9 : memref<!tpu.dma_semaphore, #tpu.memory_space<semaphore_mem>>) src(%dma_wait3A_102 : memref<128x128xf32, #tpu.memory_space<hbm>>) dst(%arg7 : memref<128x128xf32, #tpu.memory_space<vmem>>)
    %dma_start3A_103 = arith.constant 4 : i32
    %dma_start3A_104 = arith.constant 0 : i32
    %dma_start3A_105 = tpu.memref_slice %arg5[%dma_start3A_103, %dma_start3A_104] : memref<8x128xi32, #tpu.memory_space<vmem>> -> memref<1x128xi32, #tpu.memory_space<vmem>>
    %dma_start3A_106 = tpu.memref_squeeze %dma_start3A_105 : memref<1x128xi32, #tpu.memory_space<vmem>> -> memref<128xi32, #tpu.memory_space<vmem>>
    %dma_start3A_107 = arith.constant 0 : i32
    %dma_start3A_108 = arith.constant 0 : i32
    %dma_start3A_109 = tpu.memref_slice %arg4[%dma_start3A_107, %dma_start3A_108] : memref<41216x128xf32, #tpu.memory_space<hbm>> -> memref<41216x128xf32, #tpu.memory_space<hbm>>
    tpu.enqueue_indirect_dma source(%arg7 : memref<128x128xf32, #tpu.memory_space<vmem>>) target(%dma_start3A_109 : memref<41216x128xf32, #tpu.memory_space<hbm>>) offsets(%dma_start3A_106 : memref<128xi32, #tpu.memory_space<vmem>>) semaphore(%arg10 : memref<!tpu.dma_semaphore, #tpu.memory_space<semaphore_mem>>)
    %dma_wait3A_110 = arith.constant 2 : i32
    %dma_wait3A_111 = arith.constant 0 : i32
    %dma_wait3A_112 = tpu.memref_slice %arg5[%dma_wait3A_110, %dma_wait3A_111] : memref<8x128xi32, #tpu.memory_space<vmem>> -> memref<1x128xi32, #tpu.memory_space<vmem>>
    %dma_wait3A_113 = tpu.memref_squeeze %dma_wait3A_112 : memref<1x128xi32, #tpu.memory_space<vmem>> -> memref<128xi32, #tpu.memory_space<vmem>>
    %dma_wait3A_114 = arith.constant 0 : i32
    %dma_wait3A_115 = arith.constant 0 : i32
    %dma_wait3A_116 = tpu.memref_slice %arg4[%dma_wait3A_114, %dma_wait3A_115] : memref<41216x128xf32, #tpu.memory_space<hbm>> -> memref<41216x128xf32, #tpu.memory_space<hbm>>
    tpu.wait_indirect_dma semaphore(%arg10 : memref<!tpu.dma_semaphore, #tpu.memory_space<semaphore_mem>>) src(%arg8 : memref<128x128xf32, #tpu.memory_space<vmem>>) dst(%dma_wait3A_116 : memref<41216x128xf32, #tpu.memory_space<hbm>>)
    %mul3A_117 = arith.constant 1024 : i32
    %mul3A_118 = arith.muli %add3A, %mul3A_117 : i32
    %add3A_119 = arith.constant 640 : i32
    %add3A_120 = arith.addi %mul3A_118, %add3A_119 : i32
    %dma_start3A_121 = arith.constant 0 : i32
    %dma_start3A_122 = tpu.memref_slice %arg2[%add3A_120, %dma_start3A_121] : memref<32768x128xf32, #tpu.memory_space<hbm>> -> memref<128x128xf32, #tpu.memory_space<hbm>>
    %dma_start3A_123 = arith.constant 0 : i32
    %dma_start3A_124 = tpu.memref_slice %arg2[%add3A_120, %dma_start3A_123] : memref<32768x128xf32, #tpu.memory_space<hbm>> -> memref<128x128xf32, #tpu.memory_space<hbm>>
    tpu.enqueue_dma source(%dma_start3A_124 : memref<128x128xf32, #tpu.memory_space<hbm>>) target(%arg8 : memref<128x128xf32, #tpu.memory_space<vmem>>) target_semaphore(%arg9 : memref<!tpu.dma_semaphore, #tpu.memory_space<semaphore_mem>>)
    %dma_wait3A_125 = arith.constant 0 : i32
    %dma_wait3A_126 = tpu.memref_slice %arg2[%add3A_120, %dma_wait3A_125] : memref<32768x128xf32, #tpu.memory_space<hbm>> -> memref<128x128xf32, #tpu.memory_space<hbm>>
    %dma_wait3A_127 = arith.constant 0 : i32
    %dma_wait3A_128 = tpu.memref_slice %arg2[%add3A_120, %dma_wait3A_127] : memref<32768x128xf32, #tpu.memory_space<hbm>> -> memref<128x128xf32, #tpu.memory_space<hbm>>
    tpu.wait_dma2 semaphore(%arg9 : memref<!tpu.dma_semaphore, #tpu.memory_space<semaphore_mem>>) src(%dma_wait3A_128 : memref<128x128xf32, #tpu.memory_space<hbm>>) dst(%arg8 : memref<128x128xf32, #tpu.memory_space<vmem>>)
    %dma_start3A_129 = arith.constant 5 : i32
    %dma_start3A_130 = arith.constant 0 : i32
    %dma_start3A_131 = tpu.memref_slice %arg5[%dma_start3A_129, %dma_start3A_130] : memref<8x128xi32, #tpu.memory_space<vmem>> -> memref<1x128xi32, #tpu.memory_space<vmem>>
    %dma_start3A_132 = tpu.memref_squeeze %dma_start3A_131 : memref<1x128xi32, #tpu.memory_space<vmem>> -> memref<128xi32, #tpu.memory_space<vmem>>
    %dma_start3A_133 = arith.constant 0 : i32
    %dma_start3A_134 = arith.constant 0 : i32
    %dma_start3A_135 = tpu.memref_slice %arg4[%dma_start3A_133, %dma_start3A_134] : memref<41216x128xf32, #tpu.memory_space<hbm>> -> memref<41216x128xf32, #tpu.memory_space<hbm>>
    tpu.enqueue_indirect_dma source(%arg8 : memref<128x128xf32, #tpu.memory_space<vmem>>) target(%dma_start3A_135 : memref<41216x128xf32, #tpu.memory_space<hbm>>) offsets(%dma_start3A_132 : memref<128xi32, #tpu.memory_space<vmem>>) semaphore(%arg10 : memref<!tpu.dma_semaphore, #tpu.memory_space<semaphore_mem>>)
    %dma_wait3A_136 = arith.constant 3 : i32
    %dma_wait3A_137 = arith.constant 0 : i32
    %dma_wait3A_138 = tpu.memref_slice %arg5[%dma_wait3A_136, %dma_wait3A_137] : memref<8x128xi32, #tpu.memory_space<vmem>> -> memref<1x128xi32, #tpu.memory_space<vmem>>
    %dma_wait3A_139 = tpu.memref_squeeze %dma_wait3A_138 : memref<1x128xi32, #tpu.memory_space<vmem>> -> memref<128xi32, #tpu.memory_space<vmem>>
    %dma_wait3A_140 = arith.constant 0 : i32
    %dma_wait3A_141 = arith.constant 0 : i32
    %dma_wait3A_142 = tpu.memref_slice %arg4[%dma_wait3A_140, %dma_wait3A_141] : memref<41216x128xf32, #tpu.memory_space<hbm>> -> memref<41216x128xf32, #tpu.memory_space<hbm>>
    tpu.wait_indirect_dma semaphore(%arg10 : memref<!tpu.dma_semaphore, #tpu.memory_space<semaphore_mem>>) src(%arg6 : memref<128x128xf32, #tpu.memory_space<vmem>>) dst(%dma_wait3A_142 : memref<41216x128xf32, #tpu.memory_space<hbm>>)
    %mul3A_143 = arith.constant 1024 : i32
    %mul3A_144 = arith.muli %add3A, %mul3A_143 : i32
    %add3A_145 = arith.constant 768 : i32
    %add3A_146 = arith.addi %mul3A_144, %add3A_145 : i32
    %dma_start3A_147 = arith.constant 0 : i32
    %dma_start3A_148 = tpu.memref_slice %arg2[%add3A_146, %dma_start3A_147] : memref<32768x128xf32, #tpu.memory_space<hbm>> -> memref<128x128xf32, #tpu.memory_space<hbm>>
    %dma_start3A_149 = arith.constant 0 : i32
    %dma_start3A_150 = tpu.memref_slice %arg2[%add3A_146, %dma_start3A_149] : memref<32768x128xf32, #tpu.memory_space<hbm>> -> memref<128x128xf32, #tpu.memory_space<hbm>>
    tpu.enqueue_dma source(%dma_start3A_150 : memref<128x128xf32, #tpu.memory_space<hbm>>) target(%arg6 : memref<128x128xf32, #tpu.memory_space<vmem>>) target_semaphore(%arg9 : memref<!tpu.dma_semaphore, #tpu.memory_space<semaphore_mem>>)
    %dma_wait3A_151 = arith.constant 0 : i32
    %dma_wait3A_152 = tpu.memref_slice %arg2[%add3A_146, %dma_wait3A_151] : memref<32768x128xf32, #tpu.memory_space<hbm>> -> memref<128x128xf32, #tpu.memory_space<hbm>>
    %dma_wait3A_153 = arith.constant 0 : i32
    %dma_wait3A_154 = tpu.memref_slice %arg2[%add3A_146, %dma_wait3A_153] : memref<32768x128xf32, #tpu.memory_space<hbm>> -> memref<128x128xf32, #tpu.memory_space<hbm>>
    tpu.wait_dma2 semaphore(%arg9 : memref<!tpu.dma_semaphore, #tpu.memory_space<semaphore_mem>>) src(%dma_wait3A_154 : memref<128x128xf32, #tpu.memory_space<hbm>>) dst(%arg6 : memref<128x128xf32, #tpu.memory_space<vmem>>)
    %dma_start3A_155 = arith.constant 6 : i32
    %dma_start3A_156 = arith.constant 0 : i32
    %dma_start3A_157 = tpu.memref_slice %arg5[%dma_start3A_155, %dma_start3A_156] : memref<8x128xi32, #tpu.memory_space<vmem>> -> memref<1x128xi32, #tpu.memory_space<vmem>>
    %dma_start3A_158 = tpu.memref_squeeze %dma_start3A_157 : memref<1x128xi32, #tpu.memory_space<vmem>> -> memref<128xi32, #tpu.memory_space<vmem>>
    %dma_start3A_159 = arith.constant 0 : i32
    %dma_start3A_160 = arith.constant 0 : i32
    %dma_start3A_161 = tpu.memref_slice %arg4[%dma_start3A_159, %dma_start3A_160] : memref<41216x128xf32, #tpu.memory_space<hbm>> -> memref<41216x128xf32, #tpu.memory_space<hbm>>
    tpu.enqueue_indirect_dma source(%arg6 : memref<128x128xf32, #tpu.memory_space<vmem>>) target(%dma_start3A_161 : memref<41216x128xf32, #tpu.memory_space<hbm>>) offsets(%dma_start3A_158 : memref<128xi32, #tpu.memory_space<vmem>>) semaphore(%arg10 : memref<!tpu.dma_semaphore, #tpu.memory_space<semaphore_mem>>)
    %dma_wait3A_162 = arith.constant 4 : i32
    %dma_wait3A_163 = arith.constant 0 : i32
    %dma_wait3A_164 = tpu.memref_slice %arg5[%dma_wait3A_162, %dma_wait3A_163] : memref<8x128xi32, #tpu.memory_space<vmem>> -> memref<1x128xi32, #tpu.memory_space<vmem>>
    %dma_wait3A_165 = tpu.memref_squeeze %dma_wait3A_164 : memref<1x128xi32, #tpu.memory_space<vmem>> -> memref<128xi32, #tpu.memory_space<vmem>>
    %dma_wait3A_166 = arith.constant 0 : i32
    %dma_wait3A_167 = arith.constant 0 : i32
    %dma_wait3A_168 = tpu.memref_slice %arg4[%dma_wait3A_166, %dma_wait3A_167] : memref<41216x128xf32, #tpu.memory_space<hbm>> -> memref<41216x128xf32, #tpu.memory_space<hbm>>
    tpu.wait_indirect_dma semaphore(%arg10 : memref<!tpu.dma_semaphore, #tpu.memory_space<semaphore_mem>>) src(%arg7 : memref<128x128xf32, #tpu.memory_space<vmem>>) dst(%dma_wait3A_168 : memref<41216x128xf32, #tpu.memory_space<hbm>>)
    %mul3A_169 = arith.constant 1024 : i32
    %mul3A_170 = arith.muli %add3A, %mul3A_169 : i32
    %add3A_171 = arith.constant 896 : i32
    %add3A_172 = arith.addi %mul3A_170, %add3A_171 : i32
    %dma_start3A_173 = arith.constant 0 : i32
    %dma_start3A_174 = tpu.memref_slice %arg2[%add3A_172, %dma_start3A_173] : memref<32768x128xf32, #tpu.memory_space<hbm>> -> memref<128x128xf32, #tpu.memory_space<hbm>>
    %dma_start3A_175 = arith.constant 0 : i32
    %dma_start3A_176 = tpu.memref_slice %arg2[%add3A_172, %dma_start3A_175] : memref<32768x128xf32, #tpu.memory_space<hbm>> -> memref<128x128xf32, #tpu.memory_space<hbm>>
    tpu.enqueue_dma source(%dma_start3A_176 : memref<128x128xf32, #tpu.memory_space<hbm>>) target(%arg7 : memref<128x128xf32, #tpu.memory_space<vmem>>) target_semaphore(%arg9 : memref<!tpu.dma_semaphore, #tpu.memory_space<semaphore_mem>>)
    %dma_wait3A_177 = arith.constant 0 : i32
    %dma_wait3A_178 = tpu.memref_slice %arg2[%add3A_172, %dma_wait3A_177] : memref<32768x128xf32, #tpu.memory_space<hbm>> -> memref<128x128xf32, #tpu.memory_space<hbm>>
    %dma_wait3A_179 = arith.constant 0 : i32
    %dma_wait3A_180 = tpu.memref_slice %arg2[%add3A_172, %dma_wait3A_179] : memref<32768x128xf32, #tpu.memory_space<hbm>> -> memref<128x128xf32, #tpu.memory_space<hbm>>
    tpu.wait_dma2 semaphore(%arg9 : memref<!tpu.dma_semaphore, #tpu.memory_space<semaphore_mem>>) src(%dma_wait3A_180 : memref<128x128xf32, #tpu.memory_space<hbm>>) dst(%arg7 : memref<128x128xf32, #tpu.memory_space<vmem>>)
    %dma_start3A_181 = arith.constant 7 : i32
    %dma_start3A_182 = arith.constant 0 : i32
    %dma_start3A_183 = tpu.memref_slice %arg5[%dma_start3A_181, %dma_start3A_182] : memref<8x128xi32, #tpu.memory_space<vmem>> -> memref<1x128xi32, #tpu.memory_space<vmem>>
    %dma_start3A_184 = tpu.memref_squeeze %dma_start3A_183 : memref<1x128xi32, #tpu.memory_space<vmem>> -> memref<128xi32, #tpu.memory_space<vmem>>
    %dma_start3A_185 = arith.constant 0 : i32
    %dma_start3A_186 = arith.constant 0 : i32
    %dma_start3A_187 = tpu.memref_slice %arg4[%dma_start3A_185, %dma_start3A_186] : memref<41216x128xf32, #tpu.memory_space<hbm>> -> memref<41216x128xf32, #tpu.memory_space<hbm>>
    tpu.enqueue_indirect_dma source(%arg7 : memref<128x128xf32, #tpu.memory_space<vmem>>) target(%dma_start3A_187 : memref<41216x128xf32, #tpu.memory_space<hbm>>) offsets(%dma_start3A_184 : memref<128xi32, #tpu.memory_space<vmem>>) semaphore(%arg10 : memref<!tpu.dma_semaphore, #tpu.memory_space<semaphore_mem>>)
    %dma_wait3A_188 = arith.constant 5 : i32
    %dma_wait3A_189 = arith.constant 0 : i32
    %dma_wait3A_190 = tpu.memref_slice %arg5[%dma_wait3A_188, %dma_wait3A_189] : memref<8x128xi32, #tpu.memory_space<vmem>> -> memref<1x128xi32, #tpu.memory_space<vmem>>
    %dma_wait3A_191 = tpu.memref_squeeze %dma_wait3A_190 : memref<1x128xi32, #tpu.memory_space<vmem>> -> memref<128xi32, #tpu.memory_space<vmem>>
    %dma_wait3A_192 = arith.constant 0 : i32
    %dma_wait3A_193 = arith.constant 0 : i32
    %dma_wait3A_194 = tpu.memref_slice %arg4[%dma_wait3A_192, %dma_wait3A_193] : memref<41216x128xf32, #tpu.memory_space<hbm>> -> memref<41216x128xf32, #tpu.memory_space<hbm>>
    tpu.wait_indirect_dma semaphore(%arg10 : memref<!tpu.dma_semaphore, #tpu.memory_space<semaphore_mem>>) src(%arg8 : memref<128x128xf32, #tpu.memory_space<vmem>>) dst(%dma_wait3A_194 : memref<41216x128xf32, #tpu.memory_space<hbm>>)
    %dma_wait3A_195 = arith.constant 6 : i32
    %dma_wait3A_196 = arith.constant 0 : i32
    %dma_wait3A_197 = tpu.memref_slice %arg5[%dma_wait3A_195, %dma_wait3A_196] : memref<8x128xi32, #tpu.memory_space<vmem>> -> memref<1x128xi32, #tpu.memory_space<vmem>>
    %dma_wait3A_198 = tpu.memref_squeeze %dma_wait3A_197 : memref<1x128xi32, #tpu.memory_space<vmem>> -> memref<128xi32, #tpu.memory_space<vmem>>
    %dma_wait3A_199 = arith.constant 0 : i32
    %dma_wait3A_200 = arith.constant 0 : i32
    %dma_wait3A_201 = tpu.memref_slice %arg4[%dma_wait3A_199, %dma_wait3A_200] : memref<41216x128xf32, #tpu.memory_space<hbm>> -> memref<41216x128xf32, #tpu.memory_space<hbm>>
    tpu.wait_indirect_dma semaphore(%arg10 : memref<!tpu.dma_semaphore, #tpu.memory_space<semaphore_mem>>) src(%arg6 : memref<128x128xf32, #tpu.memory_space<vmem>>) dst(%dma_wait3A_201 : memref<41216x128xf32, #tpu.memory_space<hbm>>)
    %dma_wait3A_202 = arith.constant 7 : i32
    %dma_wait3A_203 = arith.constant 0 : i32
    %dma_wait3A_204 = tpu.memref_slice %arg5[%dma_wait3A_202, %dma_wait3A_203] : memref<8x128xi32, #tpu.memory_space<vmem>> -> memref<1x128xi32, #tpu.memory_space<vmem>>
    %dma_wait3A_205 = tpu.memref_squeeze %dma_wait3A_204 : memref<1x128xi32, #tpu.memory_space<vmem>> -> memref<128xi32, #tpu.memory_space<vmem>>
    %dma_wait3A_206 = arith.constant 0 : i32
    %dma_wait3A_207 = arith.constant 0 : i32
    %dma_wait3A_208 = tpu.memref_slice %arg4[%dma_wait3A_206, %dma_wait3A_207] : memref<41216x128xf32, #tpu.memory_space<hbm>> -> memref<41216x128xf32, #tpu.memory_space<hbm>>
    tpu.wait_indirect_dma semaphore(%arg10 : memref<!tpu.dma_semaphore, #tpu.memory_space<semaphore_mem>>) src(%arg7 : memref<128x128xf32, #tpu.memory_space<vmem>>) dst(%dma_wait3A_208 : memref<41216x128xf32, #tpu.memory_space<hbm>>)
    return
  }
}

module attributes {stable_mosaic.version = 14 : i64} {
  func.func @_k1_body(%arg0: i32, %arg1: memref<512x7xf32, #tpu.memory_space<vmem>>, %arg2: memref<75x256xf32, #tpu.memory_space<vmem>>, %arg3: memref<256xf32, #tpu.memory_space<vmem>>, %arg4: memref<256x256xf32, #tpu.memory_space<vmem>>, %arg5: memref<256xf32, #tpu.memory_space<vmem>>, %arg6: memref<256x256xf32, #tpu.memory_space<vmem>>, %arg7: memref<256xf32, #tpu.memory_space<vmem>>, %arg8: memref<256xf32, #tpu.memory_space<vmem>>, %arg9: memref<256xf32, #tpu.memory_space<vmem>>, %arg10: memref<256x64xf32, #tpu.memory_space<vmem>>, %arg11: memref<512x128xf32, #tpu.memory_space<vmem>>, %arg12: memref<512x1xi32, #tpu.memory_space<vmem>>, %arg13: memref<512x1xi32, #tpu.memory_space<vmem>>, %arg14: memref<1x64xf32, #tpu.memory_space<vmem>>) attributes {dimension_semantics = [#tpu.dimension_semantics<arbitrary>], iteration_bounds = array<i64: 64>, scalar_prefetch = 0 : i64, scratch_operands = 1 : i64, tpu.core_type = #tpu.core_type<tc>, window_params = [{transform_indices = @transform_0, window_bounds = array<i64: 512, 7>}, {pipeline_mode = #tpu.pipeline_mode<synchronous>, transform_indices = @transform_1, window_bounds = array<i64: 75, 256>}, {pipeline_mode = #tpu.pipeline_mode<synchronous>, transform_indices = @transform_2, window_bounds = array<i64: 256>}, {pipeline_mode = #tpu.pipeline_mode<synchronous>, transform_indices = @transform_3, window_bounds = array<i64: 256, 256>}, {pipeline_mode = #tpu.pipeline_mode<synchronous>, transform_indices = @transform_4, window_bounds = array<i64: 256>}, {pipeline_mode = #tpu.pipeline_mode<synchronous>, transform_indices = @transform_5, window_bounds = array<i64: 256, 256>}, {pipeline_mode = #tpu.pipeline_mode<synchronous>, transform_indices = @transform_6, window_bounds = array<i64: 256>}, {pipeline_mode = #tpu.pipeline_mode<synchronous>, transform_indices = @transform_7, window_bounds = array<i64: 256>}, {pipeline_mode = #tpu.pipeline_mode<synchronous>, transform_indices = @transform_8, window_bounds = array<i64: 256>}, {pipeline_mode = #tpu.pipeline_mode<synchronous>, transform_indices = @transform_9, window_bounds = array<i64: 256, 64>}, {transform_indices = @transform_10, window_bounds = array<i64: 512, 128>}, {transform_indices = @transform_11, window_bounds = array<i64: 512, 1>}, {transform_indices = @transform_12, window_bounds = array<i64: 512, 1>}]} {
    %eq3A = arith.constant 0 : i32
    %eq3A_0 = arith.cmpi eq, %arg0, %eq3A : i32
    %convert_element_type3A = arith.extui %eq3A_0 : i1 to i32
    %cond3A = arith.constant 0 : i32
    %cond3A_1 = arith.cmpi ne, %convert_element_type3A, %cond3A : i32
    scf.if %cond3A_1 {
      %broadcast_in_dim3A_181 = arith.constant 0.000000e+00 : f32
      %broadcast_in_dim3A_182 = vector.broadcast %broadcast_in_dim3A_181 : f32 to vector<1x64xf32>
      %swap3A_183 = arith.constant 0 : index
      %swap3A_184 = arith.constant 0 : index
      %swap3A_185 = vector.load %arg14[%swap3A_183, %swap3A_184] : memref<1x64xf32, #tpu.memory_space<vmem>>, vector<1x64xf32>
      tpu.vector_store %arg14[%swap3A_183, %swap3A_184], %broadcast_in_dim3A_182 {strides = array<i32>} : memref<1x64xf32, #tpu.memory_space<vmem>>, vector<1x64xf32>,
    } else {
    }
    %get3A = arith.constant 0 : index
    %get3A_2 = arith.constant 0 : index
    %get3A_3 = vector.load %arg1[%get3A, %get3A_2] : memref<512x7xf32, #tpu.memory_space<vmem>>, vector<512x7xf32>
    %slice3A = vector.extract_strided_slice %get3A_3 {offsets = [0, 0], sizes = [512, 3], strides = [1, 1]} : vector<512x7xf32> to vector<512x3xf32>
    %mul3A = arith.constant 1.000000e+00 : f32
    %mul3A_4 = vector.broadcast %mul3A : f32 to vector<512x3xf32>
    %mul3A_5 = arith.mulf %slice3A, %mul3A_4 : vector<512x3xf32>
    %mul3A_6 = arith.constant 2.000000e+00 : f32
    %mul3A_7 = vector.broadcast %mul3A_6 : f32 to vector<512x3xf32>
    %mul3A_8 = arith.mulf %slice3A, %mul3A_7 : vector<512x3xf32>
    %mul3A_9 = arith.constant 4.000000e+00 : f32
    %mul3A_10 = vector.broadcast %mul3A_9 : f32 to vector<512x3xf32>
    %mul3A_11 = arith.mulf %slice3A, %mul3A_10 : vector<512x3xf32>
    %mul3A_12 = arith.constant 8.000000e+00 : f32
    %mul3A_13 = vector.broadcast %mul3A_12 : f32 to vector<512x3xf32>
    %mul3A_14 = arith.mulf %slice3A, %mul3A_13 : vector<512x3xf32>
    %mul3A_15 = arith.constant 1.600000e+01 : f32
    %mul3A_16 = vector.broadcast %mul3A_15 : f32 to vector<512x3xf32>
    %mul3A_17 = arith.mulf %slice3A, %mul3A_16 : vector<512x3xf32>
    %mul3A_18 = arith.constant 3.200000e+01 : f32
    %mul3A_19 = vector.broadcast %mul3A_18 : f32 to vector<512x3xf32>
    %mul3A_20 = arith.mulf %slice3A, %mul3A_19 : vector<512x3xf32>
    %mul3A_21 = arith.constant 6.400000e+01 : f32
    %mul3A_22 = vector.broadcast %mul3A_21 : f32 to vector<512x3xf32>
    %mul3A_23 = arith.mulf %slice3A, %mul3A_22 : vector<512x3xf32>
    %mul3A_24 = arith.constant 1.280000e+02 : f32
    %mul3A_25 = vector.broadcast %mul3A_24 : f32 to vector<512x3xf32>
    %mul3A_26 = arith.mulf %slice3A, %mul3A_25 : vector<512x3xf32>
    %mul3A_27 = arith.constant 2.560000e+02 : f32
    %mul3A_28 = vector.broadcast %mul3A_27 : f32 to vector<512x3xf32>
    %mul3A_29 = arith.mulf %slice3A, %mul3A_28 : vector<512x3xf32>
    %mul3A_30 = arith.constant 5.120000e+02 : f32
    %mul3A_31 = vector.broadcast %mul3A_30 : f32 to vector<512x3xf32>
    %mul3A_32 = arith.mulf %slice3A, %mul3A_31 : vector<512x3xf32>
    %mul3A_33 = arith.constant 1.024000e+03 : f32
    %mul3A_34 = vector.broadcast %mul3A_33 : f32 to vector<512x3xf32>
    %mul3A_35 = arith.mulf %slice3A, %mul3A_34 : vector<512x3xf32>
    %mul3A_36 = arith.constant 2.048000e+03 : f32
    %mul3A_37 = vector.broadcast %mul3A_36 : f32 to vector<512x3xf32>
    %mul3A_38 = arith.mulf %slice3A, %mul3A_37 : vector<512x3xf32>
    %concatenate3A = tpu.concatenate %mul3A_5, %mul3A_8, %mul3A_11, %mul3A_14, %mul3A_17, %mul3A_20, %mul3A_23, %mul3A_26, %mul3A_29, %mul3A_32, %mul3A_35, %mul3A_38 in 1 : vector<512x3xf32>, vector<512x3xf32>, vector<512x3xf32>, vector<512x3xf32>, vector<512x3xf32>, vector<512x3xf32>, vector<512x3xf32>, vector<512x3xf32>, vector<512x3xf32>, vector<512x3xf32>, vector<512x3xf32>, vector<512x3xf32> -> vector<512x36xf32>
    %sin3A = math.sin %concatenate3A : vector<512x36xf32>
    %cos3A = math.cos %concatenate3A : vector<512x36xf32>
    %concatenate3A_39 = tpu.concatenate %slice3A, %sin3A, %cos3A in 1 : vector<512x3xf32>, vector<512x36xf32>, vector<512x36xf32> -> vector<512x75xf32>
    %get3A_40 = arith.constant 0 : index
    %get3A_41 = arith.constant 0 : index
    %get3A_42 = vector.load %arg2[%get3A_40, %get3A_41] : memref<75x256xf32, #tpu.memory_space<vmem>>, vector<75x256xf32>
    %dot_general3A = arith.constant dense<0.000000e+00> : vector<512x256xf32>
    %dot_general3A_43 = tpu.matmul %concatenate3A_39, %get3A_42, %dot_general3A {dimension_numbers = #tpu.dot_dimension_numbers<[1], [0], [0], [1], [0, 0, 1, 1], [], []>, transpose_lhs_hint = false} : vector<512x75xf32>, vector<75x256xf32>, vector<512x256xf32> -> vector<512x256xf32>
    %get3A_44 = arith.constant 0 : index
    %get3A_45 = vector.load %arg3[%get3A_44] : memref<256xf32, #tpu.memory_space<vmem>>, vector<256xf32>
    %broadcast_in_dim3A = vector.shape_cast %get3A_45 : vector<256xf32> to vector<1x256xf32>
    %add3A = vector.broadcast %broadcast_in_dim3A : vector<1x256xf32> to vector<512x256xf32>
    %add3A_46 = arith.addf %dot_general3A_43, %add3A : vector<512x256xf32>
    %get3A_47 = arith.constant 0 : index
    %get3A_48 = arith.constant 0 : index
    %get3A_49 = vector.load %arg4[%get3A_47, %get3A_48] : memref<256x256xf32, #tpu.memory_space<vmem>>, vector<256x256xf32>
    %dot_general3A_50 = arith.constant dense<0.000000e+00> : vector<512x256xf32>
    %dot_general3A_51 = tpu.matmul %add3A_46, %get3A_49, %dot_general3A_50 {dimension_numbers = #tpu.dot_dimension_numbers<[1], [0], [0], [1], [0, 0, 1, 1], [], []>, transpose_lhs_hint = false} : vector<512x256xf32>, vector<256x256xf32>, vector<512x256xf32> -> vector<512x256xf32>
    %get3A_52 = arith.constant 0 : index
    %get3A_53 = vector.load %arg5[%get3A_52] : memref<256xf32, #tpu.memory_space<vmem>>, vector<256xf32>
    %broadcast_in_dim3A_54 = vector.shape_cast %get3A_53 : vector<256xf32> to vector<1x256xf32>
    %add3A_55 = vector.broadcast %broadcast_in_dim3A_54 : vector<1x256xf32> to vector<512x256xf32>
    %add3A_56 = arith.addf %dot_general3A_51, %add3A_55 : vector<512x256xf32>
    %max3A = arith.constant 0.000000e+00 : f32
    %max3A_57 = vector.broadcast %max3A : f32 to vector<512x256xf32>
    %max3A_58 = arith.maximumf %add3A_56, %max3A_57 : vector<512x256xf32>
    %get3A_59 = arith.constant 0 : index
    %get3A_60 = arith.constant 0 : index
    %get3A_61 = vector.load %arg6[%get3A_59, %get3A_60] : memref<256x256xf32, #tpu.memory_space<vmem>>, vector<256x256xf32>
    %dot_general3A_62 = arith.constant dense<0.000000e+00> : vector<512x256xf32>
    %dot_general3A_63 = tpu.matmul %max3A_58, %get3A_61, %dot_general3A_62 {dimension_numbers = #tpu.dot_dimension_numbers<[1], [0], [0], [1], [0, 0, 1, 1], [], []>, transpose_lhs_hint = false} : vector<512x256xf32>, vector<256x256xf32>, vector<512x256xf32> -> vector<512x256xf32>
    %get3A_64 = arith.constant 0 : index
    %get3A_65 = vector.load %arg7[%get3A_64] : memref<256xf32, #tpu.memory_space<vmem>>, vector<256xf32>
    %broadcast_in_dim3A_66 = vector.shape_cast %get3A_65 : vector<256xf32> to vector<1x256xf32>
    %add3A_67 = vector.broadcast %broadcast_in_dim3A_66 : vector<1x256xf32> to vector<512x256xf32>
    %add3A_68 = arith.addf %dot_general3A_63, %add3A_67 : vector<512x256xf32>
    %reduce_sum3A = arith.constant dense<0.000000e+00> : vector<512xf32>
    %reduce_sum3A_69 = vector.multi_reduction <add>, %add3A_68, %reduce_sum3A [1] : vector<512x256xf32> to vector<512xf32>
    %broadcast_in_dim3A_70 = vector.shape_cast %reduce_sum3A_69 : vector<512xf32> to vector<512x1xf32>
    %div3A = arith.constant 2.560000e+02 : f32
    %div3A_71 = vector.broadcast %div3A : f32 to vector<512x1xf32>
    %div3A_72 = arith.divf %broadcast_in_dim3A_70, %div3A_71 : vector<512x1xf32>
    %sub3A = vector.broadcast %div3A_72 : vector<512x1xf32> to vector<512x256xf32>
    %sub3A_73 = arith.subf %add3A_68, %sub3A : vector<512x256xf32>
    %integer_pow3A = arith.mulf %sub3A_73, %sub3A_73 : vector<512x256xf32>
    %reduce_sum3A_74 = arith.constant dense<0.000000e+00> : vector<512xf32>
    %reduce_sum3A_75 = vector.multi_reduction <add>, %integer_pow3A, %reduce_sum3A_74 [1] : vector<512x256xf32> to vector<512xf32>
    %broadcast_in_dim3A_76 = vector.shape_cast %reduce_sum3A_75 : vector<512xf32> to vector<512x1xf32>
    %div3A_77 = arith.constant 2.560000e+02 : f32
    %div3A_78 = vector.broadcast %div3A_77 : f32 to vector<512x1xf32>
    %div3A_79 = arith.divf %broadcast_in_dim3A_76, %div3A_78 : vector<512x1xf32>
    %sub3A_80 = vector.broadcast %div3A_72 : vector<512x1xf32> to vector<512x256xf32>
    %sub3A_81 = arith.subf %add3A_68, %sub3A_80 : vector<512x256xf32>
    %add3A_82 = arith.constant 9.99999974E-6 : f32
    %add3A_83 = vector.broadcast %add3A_82 : f32 to vector<512x1xf32>
    %add3A_84 = arith.addf %div3A_79, %add3A_83 : vector<512x1xf32>
    %sqrt3A = math.sqrt %add3A_84 : vector<512x1xf32>
    %div3A_85 = vector.broadcast %sqrt3A : vector<512x1xf32> to vector<512x256xf32>
    %div3A_86 = arith.divf %sub3A_81, %div3A_85 : vector<512x256xf32>
    %get3A_87 = arith.constant 0 : index
    %get3A_88 = vector.load %arg8[%get3A_87] : memref<256xf32, #tpu.memory_space<vmem>>, vector<256xf32>
    %broadcast_in_dim3A_89 = vector.shape_cast %get3A_88 : vector<256xf32> to vector<1x256xf32>
    %mul3A_90 = vector.broadcast %broadcast_in_dim3A_89 : vector<1x256xf32> to vector<512x256xf32>
    %mul3A_91 = arith.mulf %div3A_86, %mul3A_90 : vector<512x256xf32>
    %get3A_92 = arith.constant 0 : index
    %get3A_93 = vector.load %arg9[%get3A_92] : memref<256xf32, #tpu.memory_space<vmem>>, vector<256xf32>
    %broadcast_in_dim3A_94 = vector.shape_cast %get3A_93 : vector<256xf32> to vector<1x256xf32>
    %add3A_95 = vector.broadcast %broadcast_in_dim3A_94 : vector<1x256xf32> to vector<512x256xf32>
    %add3A_96 = arith.addf %mul3A_91, %add3A_95 : vector<512x256xf32>
    %get3A_97 = arith.constant 0 : index
    %get3A_98 = arith.constant 0 : index
    %get3A_99 = vector.load %arg10[%get3A_97, %get3A_98] : memref<256x64xf32, #tpu.memory_space<vmem>>, vector<256x64xf32>
    %dot_general3A_100 = arith.constant dense<0.000000e+00> : vector<512x64xf32>
    %dot_general3A_101 = tpu.matmul %add3A_96, %get3A_99, %dot_general3A_100 {dimension_numbers = #tpu.dot_dimension_numbers<[1], [0], [0], [1], [0, 0, 1, 1], [], []>, transpose_lhs_hint = false} : vector<512x256xf32>, vector<256x64xf32>, vector<512x64xf32> -> vector<512x64xf32>
    %reduce_max3A = arith.constant dense<0xFF800000> : vector<512xf32>
    %reduce_max3A_102 = vector.multi_reduction <maximumf>, %dot_general3A_101, %reduce_max3A [1] : vector<512x64xf32> to vector<512xf32>
    %broadcast_in_dim3A_103 = vector.shape_cast %reduce_max3A_102 : vector<512xf32> to vector<512x1xf32>
    %sub3A_104 = vector.broadcast %broadcast_in_dim3A_103 : vector<512x1xf32> to vector<512x64xf32>
    %sub3A_105 = arith.subf %dot_general3A_101, %sub3A_104 : vector<512x64xf32>
    %exp3A = math.exp %sub3A_105 : vector<512x64xf32>
    %reduce_sum3A_106 = arith.constant dense<0.000000e+00> : vector<512xf32>
    %reduce_sum3A_107 = vector.multi_reduction <add>, %exp3A, %reduce_sum3A_106 [1] : vector<512x64xf32> to vector<512xf32>
    %broadcast_in_dim3A_108 = vector.shape_cast %reduce_sum3A_107 : vector<512xf32> to vector<512x1xf32>
    %div3A_109 = arith.constant 1.000000e+00 : f32
    %div3A_110 = vector.broadcast %div3A_109 : f32 to vector<512x1xf32>
    %div3A_111 = arith.divf %div3A_110, %broadcast_in_dim3A_108 : vector<512x1xf32>
    %eq3A_112 = vector.broadcast %broadcast_in_dim3A_103 : vector<512x1xf32> to vector<512x64xf32>
    %eq3A_113 = arith.cmpf oeq, %dot_general3A_101, %eq3A_112 : vector<512x64xf32>
    %convert_element_type3A_114 = arith.extui %eq3A_113 : vector<512x64xi1> to vector<512x64xi32>
    %convert_element_type3A_115 = arith.sitofp %convert_element_type3A_114 : vector<512x64xi32> to vector<512x64xf32>
    %iota3A = tpu.iota {dimensions = array<i32: 0>} : vector<64x64xi32>
    %iota3A_116 = tpu.iota {dimensions = array<i32: 1>} : vector<64x64xi32>
    %le3A = arith.cmpi sle, %iota3A, %iota3A_116 : vector<64x64xi32>
    %convert_element_type3A_117 = arith.extui %le3A : vector<64x64xi1> to vector<64x64xi32>
    %convert_element_type3A_118 = arith.sitofp %convert_element_type3A_117 : vector<64x64xi32> to vector<64x64xf32>
    %dot_general3A_119 = arith.constant dense<0.000000e+00> : vector<512x64xf32>
    %dot_general3A_120 = tpu.matmul %convert_element_type3A_115, %convert_element_type3A_118, %dot_general3A_119 {dimension_numbers = #tpu.dot_dimension_numbers<[1], [0], [0], [1], [0, 0, 1, 1], [], []>, transpose_lhs_hint = false} : vector<512x64xf32>, vector<64x64xf32>, vector<512x64xf32> -> vector<512x64xf32>
    %eq3A_121 = arith.constant 1.000000e+00 : f32
    %eq3A_122 = vector.broadcast %eq3A_121 : f32 to vector<512x64xf32>
    %eq3A_123 = arith.cmpf oeq, %dot_general3A_120, %eq3A_122 : vector<512x64xf32>
    %convert_element_type3A_124 = arith.extui %eq3A_123 : vector<512x64xi1> to vector<512x64xi32>
    %convert_element_type3A_125 = arith.sitofp %convert_element_type3A_124 : vector<512x64xi32> to vector<512x64xf32>
    %mul3A_126 = arith.mulf %convert_element_type3A_115, %convert_element_type3A_125 : vector<512x64xf32>
    %iota3A_127 = tpu.iota {dimensions = array<i32: 0>} : vector<512x512xi32>
    %iota3A_128 = tpu.iota {dimensions = array<i32: 1>} : vector<512x512xi32>
    %ge3A = arith.cmpi sge, %iota3A_127, %iota3A_128 : vector<512x512xi32>
    %convert_element_type3A_129 = arith.extui %ge3A : vector<512x512xi1> to vector<512x512xi32>
    %convert_element_type3A_130 = arith.sitofp %convert_element_type3A_129 : vector<512x512xi32> to vector<512x512xf32>
    %dot_general3A_131 = arith.constant dense<0.000000e+00> : vector<512x64xf32>
    %dot_general3A_132 = tpu.matmul %convert_element_type3A_130, %mul3A_126, %dot_general3A_131 {dimension_numbers = #tpu.dot_dimension_numbers<[1], [0], [0], [1], [0, 0, 1, 1], [], []>, transpose_lhs_hint = false} : vector<512x512xf32>, vector<512x64xf32>, vector<512x64xf32> -> vector<512x64xf32>
    %mul3A_133 = arith.mulf %dot_general3A_132, %mul3A_126 : vector<512x64xf32>
    %reduce_sum3A_134 = arith.constant dense<0.000000e+00> : vector<512xf32>
    %reduce_sum3A_135 = vector.multi_reduction <add>, %mul3A_133, %reduce_sum3A_134 [1] : vector<512x64xf32> to vector<512xf32>
    %broadcast_in_dim3A_136 = vector.shape_cast %reduce_sum3A_135 : vector<512xf32> to vector<512x1xf32>
    %sub3A_137 = arith.constant 1.000000e+00 : f32
    %sub3A_138 = vector.broadcast %sub3A_137 : f32 to vector<512x1xf32>
    %sub3A_139 = arith.subf %broadcast_in_dim3A_136, %sub3A_138 : vector<512x1xf32>
    %get3A_140 = arith.constant 0 : index
    %get3A_141 = arith.constant 0 : index
    %get3A_142 = vector.load %arg14[%get3A_140, %get3A_141] : memref<1x64xf32, #tpu.memory_space<vmem>>, vector<1x64xf32>
    %dot_general3A_143 = arith.constant dense<0.000000e+00> : vector<512x1xf32>
    %dot_general3A_144 = tpu.matmul %mul3A_126, %get3A_142, %dot_general3A_143 {dimension_numbers = #tpu.dot_dimension_numbers<[1], [1], [0], [0], [0, 0, 1, 0], [], []>, transpose_lhs_hint = false} : vector<512x64xf32>, vector<1x64xf32>, vector<512x1xf32> -> vector<512x1xf32>
    %add3A_145 = arith.addf %sub3A_139, %dot_general3A_144 : vector<512x1xf32>
    %reduce_sum3A_146 = arith.constant dense<0.000000e+00> : vector<64xf32>
    %reduce_sum3A_147 = vector.multi_reduction <add>, %mul3A_126, %reduce_sum3A_146 [0] : vector<512x64xf32> to vector<64xf32>
    %broadcast_in_dim3A_148 = vector.shape_cast %reduce_sum3A_147 : vector<64xf32> to vector<1x64xf32>
    %add3A_149 = arith.addf %get3A_142, %broadcast_in_dim3A_148 : vector<1x64xf32>
    %swap3A = arith.constant 0 : index
    %swap3A_150 = arith.constant 0 : index
    %swap3A_151 = vector.load %arg14[%swap3A, %swap3A_150] : memref<1x64xf32, #tpu.memory_space<vmem>>, vector<1x64xf32>
    tpu.vector_store %arg14[%swap3A, %swap3A_150], %add3A_149 {strides = array<i32>} : memref<1x64xf32, #tpu.memory_space<vmem>>, vector<1x64xf32>,
    %iota3A_152 = tpu.iota {dimensions = array<i32: 1>} : vector<512x64xi32>
    %convert_element_type3A_153 = arith.sitofp %iota3A_152 : vector<512x64xi32> to vector<512x64xf32>
    %mul3A_154 = arith.mulf %mul3A_126, %convert_element_type3A_153 : vector<512x64xf32>
    %reduce_sum3A_155 = arith.constant dense<0.000000e+00> : vector<512xf32>
    %reduce_sum3A_156 = vector.multi_reduction <add>, %mul3A_154, %reduce_sum3A_155 [1] : vector<512x64xf32> to vector<512xf32>
    %broadcast_in_dim3A_157 = vector.shape_cast %reduce_sum3A_156 : vector<512xf32> to vector<512x1xf32>
    %lt3A = arith.constant 6.400000e+02 : f32
    %lt3A_158 = vector.broadcast %lt3A : f32 to vector<512x1xf32>
    %lt3A_159 = arith.cmpf olt, %add3A_145, %lt3A_158 : vector<512x1xf32>
    %mul3A_160 = arith.constant 6.400000e+02 : f32
    %mul3A_161 = vector.broadcast %mul3A_160 : f32 to vector<512x1xf32>
    %mul3A_162 = arith.mulf %broadcast_in_dim3A_157, %mul3A_161 : vector<512x1xf32>
    %add3A_163 = arith.addf %mul3A_162, %add3A_145 : vector<512x1xf32>
    %jit3A = arith.constant 4.096000e+04 : f32
    %broadcast_in_dim3A_164 = vector.broadcast %jit3A : f32 to vector<512x1xf32>
    %select_n3A = arith.select %lt3A_159, %add3A_163, %broadcast_in_dim3A_164 : vector<512x1xi1>, vector<512x1xf32>
    %convert_element_type3A_165 = arith.fptosi %select_n3A : vector<512x1xf32> to vector<512x1xi32>
    %swap3A_166 = arith.constant 0 : index
    %swap3A_167 = arith.constant 0 : index
    %swap3A_168 = vector.load %arg12[%swap3A_166, %swap3A_167] : memref<512x1xi32, #tpu.memory_space<vmem>>, vector<512x1xi32>
    tpu.vector_store %arg12[%swap3A_166, %swap3A_167], %convert_element_type3A_165 {strides = array<i32>} : memref<512x1xi32, #tpu.memory_space<vmem>>, vector<512x1xi32>,
    %convert_element_type3A_169 = arith.fptosi %select_n3A : vector<512x1xf32> to vector<512x1xi32>
    %min3A = arith.constant 40959 : i32
    %min3A_170 = vector.broadcast %min3A : i32 to vector<512x1xi32>
    %min3A_171 = arith.minsi %convert_element_type3A_169, %min3A_170 : vector<512x1xi32>
    %swap3A_172 = arith.constant 0 : index
    %swap3A_173 = arith.constant 0 : index
    %swap3A_174 = vector.load %arg13[%swap3A_172, %swap3A_173] : memref<512x1xi32, #tpu.memory_space<vmem>>, vector<512x1xi32>
    tpu.vector_store %arg13[%swap3A_172, %swap3A_173], %min3A_171 {strides = array<i32>} : memref<512x1xi32, #tpu.memory_space<vmem>>, vector<512x1xi32>,
    %broadcast_in_dim3A_175 = arith.constant 0.000000e+00 : f32
    %broadcast_in_dim3A_176 = vector.broadcast %broadcast_in_dim3A_175 : f32 to vector<512x120xf32>
    %concatenate3A_177 = tpu.concatenate %get3A_3, %div3A_111, %broadcast_in_dim3A_176 in 1 : vector<512x7xf32>, vector<512x1xf32>, vector<512x120xf32> -> vector<512x128xf32>
    %swap3A_178 = arith.constant 0 : index
    %swap3A_179 = arith.constant 0 : index
    %swap3A_180 = vector.load %arg11[%swap3A_178, %swap3A_179] : memref<512x128xf32, #tpu.memory_space<vmem>>, vector<512x128xf32>
    tpu.vector_store %arg11[%swap3A_178, %swap3A_179], %concatenate3A_177 {strides = array<i32>} : memref<512x128xf32, #tpu.memory_space<vmem>>, vector<512x128xf32>,
    return
  }
  func.func @transform_0(%arg0: i32) -> (i32, i32) {
    %c0_i32 = arith.constant 0 : i32
    %c0_i32_0 = arith.constant 0 : i32
    return %arg0, %c0_i32 : i32, i32
  }
  func.func @transform_1(%arg0: i32) -> (i32, i32) {
    %c0_i32 = arith.constant 0 : i32
    %c0_i32_0 = arith.constant 0 : i32
    %c0_i32_1 = arith.constant 0 : i32
    return %c0_i32, %c0_i32_0 : i32, i32
  }
  func.func @transform_2(%arg0: i32) -> i32 {
    %c0_i32 = arith.constant 0 : i32
    %c0_i32_0 = arith.constant 0 : i32
    return %c0_i32 : i32
  }
  func.func @transform_3(%arg0: i32) -> (i32, i32) {
    %c0_i32 = arith.constant 0 : i32
    %c0_i32_0 = arith.constant 0 : i32
    %c0_i32_1 = arith.constant 0 : i32
    return %c0_i32, %c0_i32_0 : i32, i32
  }
  func.func @transform_4(%arg0: i32) -> i32 {
    %c0_i32 = arith.constant 0 : i32
    %c0_i32_0 = arith.constant 0 : i32
    return %c0_i32 : i32
  }
  func.func @transform_5(%arg0: i32) -> (i32, i32) {
    %c0_i32 = arith.constant 0 : i32
    %c0_i32_0 = arith.constant 0 : i32
    %c0_i32_1 = arith.constant 0 : i32
    return %c0_i32, %c0_i32_0 : i32, i32
  }
  func.func @transform_6(%arg0: i32) -> i32 {
    %c0_i32 = arith.constant 0 : i32
    %c0_i32_0 = arith.constant 0 : i32
    return %c0_i32 : i32
  }
  func.func @transform_7(%arg0: i32) -> i32 {
    %c0_i32 = arith.constant 0 : i32
    %c0_i32_0 = arith.constant 0 : i32
    return %c0_i32 : i32
  }
  func.func @transform_8(%arg0: i32) -> i32 {
    %c0_i32 = arith.constant 0 : i32
    %c0_i32_0 = arith.constant 0 : i32
    return %c0_i32 : i32
  }
  func.func @transform_9(%arg0: i32) -> (i32, i32) {
    %c0_i32 = arith.constant 0 : i32
    %c0_i32_0 = arith.constant 0 : i32
    %c0_i32_1 = arith.constant 0 : i32
    return %c0_i32, %c0_i32_0 : i32, i32
  }
  func.func @transform_10(%arg0: i32) -> (i32, i32) {
    %c0_i32 = arith.constant 0 : i32
    %c0_i32_0 = arith.constant 0 : i32
    return %arg0, %c0_i32 : i32, i32
  }
  func.func @transform_11(%arg0: i32) -> (i32, i32) {
    %c0_i32 = arith.constant 0 : i32
    %c0_i32_0 = arith.constant 0 : i32
    return %arg0, %c0_i32 : i32, i32
  }
  func.func @transform_12(%arg0: i32) -> (i32, i32) {
    %c0_i32 = arith.constant 0 : i32
    %c0_i32_0 = arith.constant 0 : i32
    return %arg0, %c0_i32 : i32, i32
  }
}

module attributes {stable_mosaic.version = 14 : i64} {
  func.func @_k3_body(%arg0: i32, %arg1: memref<640x128xf32, #tpu.memory_space<vmem>>, %arg2: memref<75x256xf32, #tpu.memory_space<vmem>>, %arg3: memref<256xf32, #tpu.memory_space<vmem>>, %arg4: memref<1x3x256x256xf32, #tpu.memory_space<vmem>>, %arg5: memref<1x3x256xf32, #tpu.memory_space<vmem>>, %arg6: memref<1x512x256xf32, #tpu.memory_space<vmem>>, %arg7: memref<1x1x256xf32, #tpu.memory_space<vmem>>, %arg8: memref<1x3x256x256xf32, #tpu.memory_space<vmem>>, %arg9: memref<1x3x256xf32, #tpu.memory_space<vmem>>, %arg10: memref<256x256xf32, #tpu.memory_space<vmem>>, %arg11: memref<256xf32, #tpu.memory_space<vmem>>, %arg12: memref<331x128xf32, #tpu.memory_space<vmem>>, %arg13: memref<128xf32, #tpu.memory_space<vmem>>, %arg14: memref<256x1xf32, #tpu.memory_space<vmem>>, %arg15: memref<1xf32, #tpu.memory_space<vmem>>, %arg16: memref<128x3xf32, #tpu.memory_space<vmem>>, %arg17: memref<3xf32, #tpu.memory_space<vmem>>, %arg18: memref<1024x48xf32, #tpu.memory_space<vmem>>, %arg19: memref<640x128xf32, #tpu.memory_space<vmem>>) attributes {dimension_semantics = [#tpu.dimension_semantics<arbitrary>], iteration_bounds = array<i64: 64>, scalar_prefetch = 0 : i64, scratch_operands = 0 : i64, tpu.core_type = #tpu.core_type<tc>, window_params = [{transform_indices = @transform_0, window_bounds = array<i64: 640, 128>}, {pipeline_mode = #tpu.pipeline_mode<synchronous>, transform_indices = @transform_1, window_bounds = array<i64: 75, 256>}, {pipeline_mode = #tpu.pipeline_mode<synchronous>, transform_indices = @transform_2, window_bounds = array<i64: 256>}, {transform_indices = @transform_3, window_bounds = array<i64: 1, 3, 256, 256>}, {transform_indices = @transform_4, window_bounds = array<i64: 1, 3, 256>}, {transform_indices = @transform_5, window_bounds = array<i64: 1, 512, 256>}, {transform_indices = @transform_6, window_bounds = array<i64: 1, 1, 256>}, {transform_indices = @transform_7, window_bounds = array<i64: 1, 3, 256, 256>}, {transform_indices = @transform_8, window_bounds = array<i64: 1, 3, 256>}, {pipeline_mode = #tpu.pipeline_mode<synchronous>, transform_indices = @transform_9, window_bounds = array<i64: 256, 256>}, {pipeline_mode = #tpu.pipeline_mode<synchronous>, transform_indices = @transform_10, window_bounds = array<i64: 256>}, {pipeline_mode = #tpu.pipeline_mode<synchronous>, transform_indices = @transform_11, window_bounds = array<i64: 331, 128>}, {pipeline_mode = #tpu.pipeline_mode<synchronous>, transform_indices = @transform_12, window_bounds = array<i64: 128>}, {pipeline_mode = #tpu.pipeline_mode<synchronous>, transform_indices = @transform_13, window_bounds = array<i64: 256, 1>}, {pipeline_mode = #tpu.pipeline_mode<synchronous>, transform_indices = @transform_14, window_bounds = array<i64: 1>}, {pipeline_mode = #tpu.pipeline_mode<synchronous>, transform_indices = @transform_15, window_bounds = array<i64: 128, 3>}, {pipeline_mode = #tpu.pipeline_mode<synchronous>, transform_indices = @transform_16, window_bounds = array<i64: 3>}, {pipeline_mode = #tpu.pipeline_mode<synchronous>, transform_indices = @transform_17, window_bounds = array<i64: 1024, 48>}, {transform_indices = @transform_18, window_bounds = array<i64: 640, 128>}]} {
    %get3A = arith.constant 0 : index
    %get3A_0 = arith.constant 0 : index
    %get3A_1 = vector.load %arg1[%get3A, %get3A_0] : memref<640x128xf32, #tpu.memory_space<vmem>>, vector<640x128xf32>
    %slice3A = vector.extract_strided_slice %get3A_1 {offsets = [0, 0], sizes = [640, 3], strides = [1, 1]} : vector<640x128xf32> to vector<640x3xf32>
    %mul3A = arith.constant 1.000000e+00 : f32
    %mul3A_2 = vector.broadcast %mul3A : f32 to vector<640x3xf32>
    %mul3A_3 = arith.mulf %slice3A, %mul3A_2 : vector<640x3xf32>
    %mul3A_4 = arith.constant 2.000000e+00 : f32
    %mul3A_5 = vector.broadcast %mul3A_4 : f32 to vector<640x3xf32>
    %mul3A_6 = arith.mulf %slice3A, %mul3A_5 : vector<640x3xf32>
    %mul3A_7 = arith.constant 4.000000e+00 : f32
    %mul3A_8 = vector.broadcast %mul3A_7 : f32 to vector<640x3xf32>
    %mul3A_9 = arith.mulf %slice3A, %mul3A_8 : vector<640x3xf32>
    %mul3A_10 = arith.constant 8.000000e+00 : f32
    %mul3A_11 = vector.broadcast %mul3A_10 : f32 to vector<640x3xf32>
    %mul3A_12 = arith.mulf %slice3A, %mul3A_11 : vector<640x3xf32>
    %mul3A_13 = arith.constant 1.600000e+01 : f32
    %mul3A_14 = vector.broadcast %mul3A_13 : f32 to vector<640x3xf32>
    %mul3A_15 = arith.mulf %slice3A, %mul3A_14 : vector<640x3xf32>
    %mul3A_16 = arith.constant 3.200000e+01 : f32
    %mul3A_17 = vector.broadcast %mul3A_16 : f32 to vector<640x3xf32>
    %mul3A_18 = arith.mulf %slice3A, %mul3A_17 : vector<640x3xf32>
    %mul3A_19 = arith.constant 6.400000e+01 : f32
    %mul3A_20 = vector.broadcast %mul3A_19 : f32 to vector<640x3xf32>
    %mul3A_21 = arith.mulf %slice3A, %mul3A_20 : vector<640x3xf32>
    %mul3A_22 = arith.constant 1.280000e+02 : f32
    %mul3A_23 = vector.broadcast %mul3A_22 : f32 to vector<640x3xf32>
    %mul3A_24 = arith.mulf %slice3A, %mul3A_23 : vector<640x3xf32>
    %mul3A_25 = arith.constant 2.560000e+02 : f32
    %mul3A_26 = vector.broadcast %mul3A_25 : f32 to vector<640x3xf32>
    %mul3A_27 = arith.mulf %slice3A, %mul3A_26 : vector<640x3xf32>
    %mul3A_28 = arith.constant 5.120000e+02 : f32
    %mul3A_29 = vector.broadcast %mul3A_28 : f32 to vector<640x3xf32>
    %mul3A_30 = arith.mulf %slice3A, %mul3A_29 : vector<640x3xf32>
    %mul3A_31 = arith.constant 1.024000e+03 : f32
    %mul3A_32 = vector.broadcast %mul3A_31 : f32 to vector<640x3xf32>
    %mul3A_33 = arith.mulf %slice3A, %mul3A_32 : vector<640x3xf32>
    %mul3A_34 = arith.constant 2.048000e+03 : f32
    %mul3A_35 = vector.broadcast %mul3A_34 : f32 to vector<640x3xf32>
    %mul3A_36 = arith.mulf %slice3A, %mul3A_35 : vector<640x3xf32>
    %concatenate3A = tpu.concatenate %mul3A_3, %mul3A_6, %mul3A_9, %mul3A_12, %mul3A_15, %mul3A_18, %mul3A_21, %mul3A_24, %mul3A_27, %mul3A_30, %mul3A_33, %mul3A_36 in 1 : vector<640x3xf32>, vector<640x3xf32>, vector<640x3xf32>, vector<640x3xf32>, vector<640x3xf32>, vector<640x3xf32>, vector<640x3xf32>, vector<640x3xf32>, vector<640x3xf32>, vector<640x3xf32>, vector<640x3xf32>, vector<640x3xf32> -> vector<640x36xf32>
    %sin3A = math.sin %concatenate3A : vector<640x36xf32>
    %cos3A = math.cos %concatenate3A : vector<640x36xf32>
    %concatenate3A_37 = tpu.concatenate %slice3A, %sin3A, %cos3A in 1 : vector<640x3xf32>, vector<640x36xf32>, vector<640x36xf32> -> vector<640x75xf32>
    %get3A_38 = arith.constant 0 : index
    %get3A_39 = arith.constant 0 : index
    %get3A_40 = vector.load %arg2[%get3A_38, %get3A_39] : memref<75x256xf32, #tpu.memory_space<vmem>>, vector<75x256xf32>
    %dot_general3A = arith.constant dense<0.000000e+00> : vector<640x256xf32>
    %dot_general3A_41 = tpu.matmul %concatenate3A_37, %get3A_40, %dot_general3A {dimension_numbers = #tpu.dot_dimension_numbers<[1], [0], [0], [1], [0, 0, 1, 1], [], []>, transpose_lhs_hint = false} : vector<640x75xf32>, vector<75x256xf32>, vector<640x256xf32> -> vector<640x256xf32>
    %get3A_42 = arith.constant 0 : index
    %get3A_43 = vector.load %arg3[%get3A_42] : memref<256xf32, #tpu.memory_space<vmem>>, vector<256xf32>
    %broadcast_in_dim3A = vector.shape_cast %get3A_43 : vector<256xf32> to vector<1x256xf32>
    %add3A = vector.broadcast %broadcast_in_dim3A : vector<1x256xf32> to vector<640x256xf32>
    %add3A_44 = arith.addf %dot_general3A_41, %add3A : vector<640x256xf32>
    %get3A_45 = arith.constant 0 : index
    %get3A_46 = arith.constant 0 : index
    %get3A_47 = arith.constant 0 : index
    %get3A_48 = arith.constant 0 : index
    %get3A_49 = vector.load %arg4[%get3A_45, %get3A_46, %get3A_47, %get3A_48] : memref<1x3x256x256xf32, #tpu.memory_space<vmem>>, vector<1x1x256x256xf32>
    %get3A_50 = vector.shape_cast %get3A_49 : vector<1x1x256x256xf32> to vector<256x256xf32>
    %dot_general3A_51 = arith.constant dense<0.000000e+00> : vector<640x256xf32>
    %dot_general3A_52 = tpu.matmul %add3A_44, %get3A_50, %dot_general3A_51 {dimension_numbers = #tpu.dot_dimension_numbers<[1], [0], [0], [1], [0, 0, 1, 1], [], []>, transpose_lhs_hint = false} : vector<640x256xf32>, vector<256x256xf32>, vector<640x256xf32> -> vector<640x256xf32>
    %get3A_53 = arith.constant 0 : index
    %get3A_54 = arith.constant 0 : index
    %get3A_55 = arith.constant 0 : index
    %get3A_56 = vector.load %arg5[%get3A_53, %get3A_54, %get3A_55] : memref<1x3x256xf32, #tpu.memory_space<vmem>>, vector<1x1x256xf32>
    %get3A_57 = vector.shape_cast %get3A_56 : vector<1x1x256xf32> to vector<256xf32>
    %broadcast_in_dim3A_58 = vector.shape_cast %get3A_57 : vector<256xf32> to vector<1x256xf32>
    %add3A_59 = vector.broadcast %broadcast_in_dim3A_58 : vector<1x256xf32> to vector<640x256xf32>
    %add3A_60 = arith.addf %dot_general3A_52, %add3A_59 : vector<640x256xf32>
    %max3A = arith.constant 0.000000e+00 : f32
    %max3A_61 = vector.broadcast %max3A : f32 to vector<640x256xf32>
    %max3A_62 = arith.maximumf %add3A_60, %max3A_61 : vector<640x256xf32>
    %get3A_63 = arith.constant 0 : index
    %get3A_64 = arith.constant 1 : index
    %get3A_65 = arith.constant 0 : index
    %get3A_66 = arith.constant 0 : index
    %get3A_67 = vector.load %arg4[%get3A_63, %get3A_64, %get3A_65, %get3A_66] : memref<1x3x256x256xf32, #tpu.memory_space<vmem>>, vector<1x1x256x256xf32>
    %get3A_68 = vector.shape_cast %get3A_67 : vector<1x1x256x256xf32> to vector<256x256xf32>
    %dot_general3A_69 = arith.constant dense<0.000000e+00> : vector<640x256xf32>
    %dot_general3A_70 = tpu.matmul %max3A_62, %get3A_68, %dot_general3A_69 {dimension_numbers = #tpu.dot_dimension_numbers<[1], [0], [0], [1], [0, 0, 1, 1], [], []>, transpose_lhs_hint = false} : vector<640x256xf32>, vector<256x256xf32>, vector<640x256xf32> -> vector<640x256xf32>
    %get3A_71 = arith.constant 0 : index
    %get3A_72 = arith.constant 1 : index
    %get3A_73 = arith.constant 0 : index
    %get3A_74 = vector.load %arg5[%get3A_71, %get3A_72, %get3A_73] : memref<1x3x256xf32, #tpu.memory_space<vmem>>, vector<1x1x256xf32>
    %get3A_75 = vector.shape_cast %get3A_74 : vector<1x1x256xf32> to vector<256xf32>
    %broadcast_in_dim3A_76 = vector.shape_cast %get3A_75 : vector<256xf32> to vector<1x256xf32>
    %add3A_77 = vector.broadcast %broadcast_in_dim3A_76 : vector<1x256xf32> to vector<640x256xf32>
    %add3A_78 = arith.addf %dot_general3A_70, %add3A_77 : vector<640x256xf32>
    %max3A_79 = arith.constant 0.000000e+00 : f32
    %max3A_80 = vector.broadcast %max3A_79 : f32 to vector<640x256xf32>
    %max3A_81 = arith.maximumf %add3A_78, %max3A_80 : vector<640x256xf32>
    %get3A_82 = arith.constant 0 : index
    %get3A_83 = arith.constant 2 : index
    %get3A_84 = arith.constant 0 : index
    %get3A_85 = arith.constant 0 : index
    %get3A_86 = vector.load %arg4[%get3A_82, %get3A_83, %get3A_84, %get3A_85] : memref<1x3x256x256xf32, #tpu.memory_space<vmem>>, vector<1x1x256x256xf32>
    %get3A_87 = vector.shape_cast %get3A_86 : vector<1x1x256x256xf32> to vector<256x256xf32>
    %dot_general3A_88 = arith.constant dense<0.000000e+00> : vector<640x256xf32>
    %dot_general3A_89 = tpu.matmul %max3A_81, %get3A_87, %dot_general3A_88 {dimension_numbers = #tpu.dot_dimension_numbers<[1], [0], [0], [1], [0, 0, 1, 1], [], []>, transpose_lhs_hint = false} : vector<640x256xf32>, vector<256x256xf32>, vector<640x256xf32> -> vector<640x256xf32>
    %get3A_90 = arith.constant 0 : index
    %get3A_91 = arith.constant 2 : index
    %get3A_92 = arith.constant 0 : index
    %get3A_93 = vector.load %arg5[%get3A_90, %get3A_91, %get3A_92] : memref<1x3x256xf32, #tpu.memory_space<vmem>>, vector<1x1x256xf32>
    %get3A_94 = vector.shape_cast %get3A_93 : vector<1x1x256xf32> to vector<256xf32>
    %broadcast_in_dim3A_95 = vector.shape_cast %get3A_94 : vector<256xf32> to vector<1x256xf32>
    %add3A_96 = vector.broadcast %broadcast_in_dim3A_95 : vector<1x256xf32> to vector<640x256xf32>
    %add3A_97 = arith.addf %dot_general3A_89, %add3A_96 : vector<640x256xf32>
    %max3A_98 = arith.constant 0.000000e+00 : f32
    %max3A_99 = vector.broadcast %max3A_98 : f32 to vector<640x256xf32>
    %max3A_100 = arith.maximumf %add3A_97, %max3A_99 : vector<640x256xf32>
    %concatenate3A_101 = tpu.concatenate %add3A_44, %max3A_100 in 1 : vector<640x256xf32>, vector<640x256xf32> -> vector<640x512xf32>
    %get3A_102 = arith.constant 0 : index
    %get3A_103 = arith.constant 0 : index
    %get3A_104 = arith.constant 0 : index
    %get3A_105 = vector.load %arg6[%get3A_102, %get3A_103, %get3A_104] : memref<1x512x256xf32, #tpu.memory_space<vmem>>, vector<1x512x256xf32>
    %get3A_106 = vector.shape_cast %get3A_105 : vector<1x512x256xf32> to vector<512x256xf32>
    %dot_general3A_107 = arith.constant dense<0.000000e+00> : vector<640x256xf32>
    %dot_general3A_108 = tpu.matmul %concatenate3A_101, %get3A_106, %dot_general3A_107 {dimension_numbers = #tpu.dot_dimension_numbers<[1], [0], [0], [1], [0, 0, 1, 1], [], []>, transpose_lhs_hint = false} : vector<640x512xf32>, vector<512x256xf32>, vector<640x256xf32> -> vector<640x256xf32>
    %get3A_109 = arith.constant 0 : index
    %get3A_110 = arith.constant 0 : index
    %get3A_111 = arith.constant 0 : index
    %get3A_112 = vector.load %arg7[%get3A_109, %get3A_110, %get3A_111] : memref<1x1x256xf32, #tpu.memory_space<vmem>>, vector<1x1x256xf32>
    %get3A_113 = vector.shape_cast %get3A_112 : vector<1x1x256xf32> to vector<256xf32>
    %broadcast_in_dim3A_114 = vector.shape_cast %get3A_113 : vector<256xf32> to vector<1x256xf32>
    %add3A_115 = vector.broadcast %broadcast_in_dim3A_114 : vector<1x256xf32> to vector<640x256xf32>
    %add3A_116 = arith.addf %dot_general3A_108, %add3A_115 : vector<640x256xf32>
    %max3A_117 = arith.constant 0.000000e+00 : f32
    %max3A_118 = vector.broadcast %max3A_117 : f32 to vector<640x256xf32>
    %max3A_119 = arith.maximumf %add3A_116, %max3A_118 : vector<640x256xf32>
    %get3A_120 = arith.constant 0 : index
    %get3A_121 = arith.constant 0 : index
    %get3A_122 = arith.constant 0 : index
    %get3A_123 = arith.constant 0 : index
    %get3A_124 = vector.load %arg8[%get3A_120, %get3A_121, %get3A_122, %get3A_123] : memref<1x3x256x256xf32, #tpu.memory_space<vmem>>, vector<1x1x256x256xf32>
    %get3A_125 = vector.shape_cast %get3A_124 : vector<1x1x256x256xf32> to vector<256x256xf32>
    %dot_general3A_126 = arith.constant dense<0.000000e+00> : vector<640x256xf32>
    %dot_general3A_127 = tpu.matmul %max3A_119, %get3A_125, %dot_general3A_126 {dimension_numbers = #tpu.dot_dimension_numbers<[1], [0], [0], [1], [0, 0, 1, 1], [], []>, transpose_lhs_hint = false} : vector<640x256xf32>, vector<256x256xf32>, vector<640x256xf32> -> vector<640x256xf32>
    %get3A_128 = arith.constant 0 : index
    %get3A_129 = arith.constant 0 : index
    %get3A_130 = arith.constant 0 : index
    %get3A_131 = vector.load %arg9[%get3A_128, %get3A_129, %get3A_130] : memref<1x3x256xf32, #tpu.memory_space<vmem>>, vector<1x1x256xf32>
    %get3A_132 = vector.shape_cast %get3A_131 : vector<1x1x256xf32> to vector<256xf32>
    %broadcast_in_dim3A_133 = vector.shape_cast %get3A_132 : vector<256xf32> to vector<1x256xf32>
    %add3A_134 = vector.broadcast %broadcast_in_dim3A_133 : vector<1x256xf32> to vector<640x256xf32>
    %add3A_135 = arith.addf %dot_general3A_127, %add3A_134 : vector<640x256xf32>
    %max3A_136 = arith.constant 0.000000e+00 : f32
    %max3A_137 = vector.broadcast %max3A_136 : f32 to vector<640x256xf32>
    %max3A_138 = arith.maximumf %add3A_135, %max3A_137 : vector<640x256xf32>
    %get3A_139 = arith.constant 0 : index
    %get3A_140 = arith.constant 1 : index
    %get3A_141 = arith.constant 0 : index
    %get3A_142 = arith.constant 0 : index
    %get3A_143 = vector.load %arg8[%get3A_139, %get3A_140, %get3A_141, %get3A_142] : memref<1x3x256x256xf32, #tpu.memory_space<vmem>>, vector<1x1x256x256xf32>
    %get3A_144 = vector.shape_cast %get3A_143 : vector<1x1x256x256xf32> to vector<256x256xf32>
    %dot_general3A_145 = arith.constant dense<0.000000e+00> : vector<640x256xf32>
    %dot_general3A_146 = tpu.matmul %max3A_138, %get3A_144, %dot_general3A_145 {dimension_numbers = #tpu.dot_dimension_numbers<[1], [0], [0], [1], [0, 0, 1, 1], [], []>, transpose_lhs_hint = false} : vector<640x256xf32>, vector<256x256xf32>, vector<640x256xf32> -> vector<640x256xf32>
    %get3A_147 = arith.constant 0 : index
    %get3A_148 = arith.constant 1 : index
    %get3A_149 = arith.constant 0 : index
    %get3A_150 = vector.load %arg9[%get3A_147, %get3A_148, %get3A_149] : memref<1x3x256xf32, #tpu.memory_space<vmem>>, vector<1x1x256xf32>
    %get3A_151 = vector.shape_cast %get3A_150 : vector<1x1x256xf32> to vector<256xf32>
    %broadcast_in_dim3A_152 = vector.shape_cast %get3A_151 : vector<256xf32> to vector<1x256xf32>
    %add3A_153 = vector.broadcast %broadcast_in_dim3A_152 : vector<1x256xf32> to vector<640x256xf32>
    %add3A_154 = arith.addf %dot_general3A_146, %add3A_153 : vector<640x256xf32>
    %max3A_155 = arith.constant 0.000000e+00 : f32
    %max3A_156 = vector.broadcast %max3A_155 : f32 to vector<640x256xf32>
    %max3A_157 = arith.maximumf %add3A_154, %max3A_156 : vector<640x256xf32>
    %get3A_158 = arith.constant 0 : index
    %get3A_159 = arith.constant 2 : index
    %get3A_160 = arith.constant 0 : index
    %get3A_161 = arith.constant 0 : index
    %get3A_162 = vector.load %arg8[%get3A_158, %get3A_159, %get3A_160, %get3A_161] : memref<1x3x256x256xf32, #tpu.memory_space<vmem>>, vector<1x1x256x256xf32>
    %get3A_163 = vector.shape_cast %get3A_162 : vector<1x1x256x256xf32> to vector<256x256xf32>
    %dot_general3A_164 = arith.constant dense<0.000000e+00> : vector<640x256xf32>
    %dot_general3A_165 = tpu.matmul %max3A_157, %get3A_163, %dot_general3A_164 {dimension_numbers = #tpu.dot_dimension_numbers<[1], [0], [0], [1], [0, 0, 1, 1], [], []>, transpose_lhs_hint = false} : vector<640x256xf32>, vector<256x256xf32>, vector<640x256xf32> -> vector<640x256xf32>
    %get3A_166 = arith.constant 0 : index
    %get3A_167 = arith.constant 2 : index
    %get3A_168 = arith.constant 0 : index
    %get3A_169 = vector.load %arg9[%get3A_166, %get3A_167, %get3A_168] : memref<1x3x256xf32, #tpu.memory_space<vmem>>, vector<1x1x256xf32>
    %get3A_170 = vector.shape_cast %get3A_169 : vector<1x1x256xf32> to vector<256xf32>
    %broadcast_in_dim3A_171 = vector.shape_cast %get3A_170 : vector<256xf32> to vector<1x256xf32>
    %add3A_172 = vector.broadcast %broadcast_in_dim3A_171 : vector<1x256xf32> to vector<640x256xf32>
    %add3A_173 = arith.addf %dot_general3A_165, %add3A_172 : vector<640x256xf32>
    %max3A_174 = arith.constant 0.000000e+00 : f32
    %max3A_175 = vector.broadcast %max3A_174 : f32 to vector<640x256xf32>
    %max3A_176 = arith.maximumf %add3A_173, %max3A_175 : vector<640x256xf32>
    %slice3A_177 = vector.extract_strided_slice %get3A_1 {offsets = [0, 7], sizes = [640, 1], strides = [1, 1]} : vector<640x128xf32> to vector<640x1xf32>
    %mul3A_178 = vector.broadcast %slice3A_177 : vector<640x1xf32> to vector<640x256xf32>
    %mul3A_179 = arith.mulf %max3A_176, %mul3A_178 : vector<640x256xf32>
    %max3A_180 = arith.constant 0.000000e+00 : f32
    %max3A_181 = vector.broadcast %max3A_180 : f32 to vector<640x256xf32>
    %max3A_182 = arith.maximumf %mul3A_179, %max3A_181 : vector<640x256xf32>
    %get3A_183 = arith.constant 0 : index
    %get3A_184 = arith.constant 0 : index
    %get3A_185 = vector.load %arg14[%get3A_183, %get3A_184] : memref<256x1xf32, #tpu.memory_space<vmem>>, vector<256x1xf32>
    %dot_general3A_186 = arith.constant dense<0.000000e+00> : vector<640x1xf32>
    %dot_general3A_187 = tpu.matmul %max3A_182, %get3A_185, %dot_general3A_186 {dimension_numbers = #tpu.dot_dimension_numbers<[1], [0], [0], [1], [0, 0, 1, 1], [], []>, transpose_lhs_hint = false} : vector<640x256xf32>, vector<256x1xf32>, vector<640x1xf32> -> vector<640x1xf32>
    %get3A_188 = arith.constant 0 : index
    %get3A_189 = vector.load %arg15[%get3A_188] : memref<1xf32, #tpu.memory_space<vmem>>, vector<1xf32>
    %broadcast_in_dim3A_190 = vector.shape_cast %get3A_189 : vector<1xf32> to vector<1x1xf32>
    %add3A_191 = vector.broadcast %broadcast_in_dim3A_190 : vector<1x1xf32> to vector<640x1xf32>
    %add3A_192 = arith.addf %dot_general3A_187, %add3A_191 : vector<640x1xf32>
    %max3A_193 = arith.constant 0.000000e+00 : f32
    %max3A_194 = vector.broadcast %max3A_193 : f32 to vector<640x1xf32>
    %max3A_195 = arith.maximumf %add3A_192, %max3A_194 : vector<640x1xf32>
    %get3A_196 = arith.constant 0 : index
    %get3A_197 = arith.constant 0 : index
    %get3A_198 = vector.load %arg10[%get3A_196, %get3A_197] : memref<256x256xf32, #tpu.memory_space<vmem>>, vector<256x256xf32>
    %dot_general3A_199 = arith.constant dense<0.000000e+00> : vector<640x256xf32>
    %dot_general3A_200 = tpu.matmul %max3A_182, %get3A_198, %dot_general3A_199 {dimension_numbers = #tpu.dot_dimension_numbers<[1], [0], [0], [1], [0, 0, 1, 1], [], []>, transpose_lhs_hint = false} : vector<640x256xf32>, vector<256x256xf32>, vector<640x256xf32> -> vector<640x256xf32>
    %get3A_201 = arith.constant 0 : index
    %get3A_202 = vector.load %arg11[%get3A_201] : memref<256xf32, #tpu.memory_space<vmem>>, vector<256xf32>
    %broadcast_in_dim3A_203 = vector.shape_cast %get3A_202 : vector<256xf32> to vector<1x256xf32>
    %add3A_204 = vector.broadcast %broadcast_in_dim3A_203 : vector<1x256xf32> to vector<640x256xf32>
    %add3A_205 = arith.addf %dot_general3A_200, %add3A_204 : vector<640x256xf32>
    %slice3A_206 = vector.extract_strided_slice %get3A_1 {offsets = [0, 3], sizes = [640, 3], strides = [1, 1]} : vector<640x128xf32> to vector<640x3xf32>
    %mul3A_207 = arith.constant 1.000000e+00 : f32
    %mul3A_208 = vector.broadcast %mul3A_207 : f32 to vector<640x3xf32>
    %mul3A_209 = arith.mulf %slice3A_206, %mul3A_208 : vector<640x3xf32>
    %mul3A_210 = arith.constant 2.000000e+00 : f32
    %mul3A_211 = vector.broadcast %mul3A_210 : f32 to vector<640x3xf32>
    %mul3A_212 = arith.mulf %slice3A_206, %mul3A_211 : vector<640x3xf32>
    %mul3A_213 = arith.constant 4.000000e+00 : f32
    %mul3A_214 = vector.broadcast %mul3A_213 : f32 to vector<640x3xf32>
    %mul3A_215 = arith.mulf %slice3A_206, %mul3A_214 : vector<640x3xf32>
    %mul3A_216 = arith.constant 8.000000e+00 : f32
    %mul3A_217 = vector.broadcast %mul3A_216 : f32 to vector<640x3xf32>
    %mul3A_218 = arith.mulf %slice3A_206, %mul3A_217 : vector<640x3xf32>
    %concatenate3A_219 = tpu.concatenate %mul3A_209, %mul3A_212, %mul3A_215, %mul3A_218 in 1 : vector<640x3xf32>, vector<640x3xf32>, vector<640x3xf32>, vector<640x3xf32> -> vector<640x12xf32>
    %sin3A_220 = math.sin %concatenate3A_219 : vector<640x12xf32>
    %cos3A_221 = math.cos %concatenate3A_219 : vector<640x12xf32>
    %concatenate3A_222 = tpu.concatenate %slice3A_206, %sin3A_220, %cos3A_221 in 1 : vector<640x3xf32>, vector<640x12xf32>, vector<640x12xf32> -> vector<640x27xf32>
    %slice3A_223 = vector.extract_strided_slice %get3A_1 {offsets = [0, 6], sizes = [640, 1], strides = [1, 1]} : vector<640x128xf32> to vector<640x1xf32>
    %iota3A = tpu.iota {dimensions = array<i32: 1>} : vector<640x1024xi32>
    %convert_element_type3A = arith.sitofp %iota3A : vector<640x1024xi32> to vector<640x1024xf32>
    %eq3A = vector.broadcast %slice3A_223 : vector<640x1xf32> to vector<640x1024xf32>
    %eq3A_224 = arith.cmpf oeq, %convert_element_type3A, %eq3A : vector<640x1024xf32>
    %convert_element_type3A_225 = arith.extui %eq3A_224 : vector<640x1024xi1> to vector<640x1024xi32>
    %convert_element_type3A_226 = arith.sitofp %convert_element_type3A_225 : vector<640x1024xi32> to vector<640x1024xf32>
    %get3A_227 = arith.constant 0 : index
    %get3A_228 = arith.constant 0 : index
    %get3A_229 = vector.load %arg18[%get3A_227, %get3A_228] : memref<1024x48xf32, #tpu.memory_space<vmem>>, vector<1024x48xf32>
    %dot_general3A_230 = arith.constant dense<0.000000e+00> : vector<640x48xf32>
    %dot_general3A_231 = tpu.matmul %convert_element_type3A_226, %get3A_229, %dot_general3A_230 {dimension_numbers = #tpu.dot_dimension_numbers<[1], [0], [0], [1], [0, 0, 1, 1], [], []>, transpose_lhs_hint = false} : vector<640x1024xf32>, vector<1024x48xf32>, vector<640x48xf32> -> vector<640x48xf32>
    %concatenate3A_232 = tpu.concatenate %add3A_205, %concatenate3A_222, %dot_general3A_231 in 1 : vector<640x256xf32>, vector<640x27xf32>, vector<640x48xf32> -> vector<640x331xf32>
    %get3A_233 = arith.constant 0 : index
    %get3A_234 = arith.constant 0 : index
    %get3A_235 = vector.load %arg12[%get3A_233, %get3A_234] : memref<331x128xf32, #tpu.memory_space<vmem>>, vector<331x128xf32>
    %dot_general3A_236 = arith.constant dense<0.000000e+00> : vector<640x128xf32>
    %dot_general3A_237 = tpu.matmul %concatenate3A_232, %get3A_235, %dot_general3A_236 {dimension_numbers = #tpu.dot_dimension_numbers<[1], [0], [0], [1], [0, 0, 1, 1], [], []>, transpose_lhs_hint = false} : vector<640x331xf32>, vector<331x128xf32>, vector<640x128xf32> -> vector<640x128xf32>
    %get3A_238 = arith.constant 0 : index
    %get3A_239 = vector.load %arg13[%get3A_238] : memref<128xf32, #tpu.memory_space<vmem>>, vector<128xf32>
    %broadcast_in_dim3A_240 = vector.shape_cast %get3A_239 : vector<128xf32> to vector<1x128xf32>
    %add3A_241 = vector.broadcast %broadcast_in_dim3A_240 : vector<1x128xf32> to vector<640x128xf32>
    %add3A_242 = arith.addf %dot_general3A_237, %add3A_241 : vector<640x128xf32>
    %max3A_243 = arith.constant 0.000000e+00 : f32
    %max3A_244 = vector.broadcast %max3A_243 : f32 to vector<640x128xf32>
    %max3A_245 = arith.maximumf %add3A_242, %max3A_244 : vector<640x128xf32>
    %get3A_246 = arith.constant 0 : index
    %get3A_247 = arith.constant 0 : index
    %get3A_248 = vector.load %arg16[%get3A_246, %get3A_247] : memref<128x3xf32, #tpu.memory_space<vmem>>, vector<128x3xf32>
    %dot_general3A_249 = arith.constant dense<0.000000e+00> : vector<640x3xf32>
    %dot_general3A_250 = tpu.matmul %max3A_245, %get3A_248, %dot_general3A_249 {dimension_numbers = #tpu.dot_dimension_numbers<[1], [0], [0], [1], [0, 0, 1, 1], [], []>, transpose_lhs_hint = false} : vector<640x128xf32>, vector<128x3xf32>, vector<640x3xf32> -> vector<640x3xf32>
    %get3A_251 = arith.constant 0 : index
    %get3A_252 = vector.load %arg17[%get3A_251] : memref<3xf32, #tpu.memory_space<vmem>>, vector<3xf32>
    %broadcast_in_dim3A_253 = vector.shape_cast %get3A_252 : vector<3xf32> to vector<1x3xf32>
    %add3A_254 = vector.broadcast %broadcast_in_dim3A_253 : vector<1x3xf32> to vector<640x3xf32>
    %add3A_255 = arith.addf %dot_general3A_250, %add3A_254 : vector<640x3xf32>
    %logistic3A = arith.negf %add3A_255 : vector<640x3xf32>
    %logistic3A_256 = math.exp %logistic3A : vector<640x3xf32>
    %logistic3A_257 = arith.constant 1.000000e+00 : f32
    %logistic3A_258 = vector.broadcast %logistic3A_257 : f32 to vector<640x3xf32>
    %logistic3A_259 = arith.addf %logistic3A_258, %logistic3A_256 : vector<640x3xf32>
    %logistic3A_260 = arith.divf %logistic3A_258, %logistic3A_259 : vector<640x3xf32>
    %broadcast_in_dim3A_261 = arith.constant 0.000000e+00 : f32
    %broadcast_in_dim3A_262 = vector.broadcast %broadcast_in_dim3A_261 : f32 to vector<640x124xf32>
    %concatenate3A_263 = tpu.concatenate %logistic3A_260, %max3A_195, %broadcast_in_dim3A_262 in 1 : vector<640x3xf32>, vector<640x1xf32>, vector<640x124xf32> -> vector<640x128xf32>
    %swap3A = arith.constant 0 : index
    %swap3A_264 = arith.constant 0 : index
    %swap3A_265 = vector.load %arg19[%swap3A, %swap3A_264] : memref<640x128xf32, #tpu.memory_space<vmem>>, vector<640x128xf32>
    tpu.vector_store %arg19[%swap3A, %swap3A_264], %concatenate3A_263 {strides = array<i32>} : memref<640x128xf32, #tpu.memory_space<vmem>>, vector<640x128xf32>,
    return
  }
  func.func @transform_0(%arg0: i32) -> (i32, i32) {
    %c0_i32 = arith.constant 0 : i32
    %c0_i32_0 = arith.constant 0 : i32
    return %arg0, %c0_i32 : i32, i32
  }
  func.func @transform_1(%arg0: i32) -> (i32, i32) {
    %c0_i32 = arith.constant 0 : i32
    %c0_i32_0 = arith.constant 0 : i32
    %c0_i32_1 = arith.constant 0 : i32
    return %c0_i32, %c0_i32_0 : i32, i32
  }
  func.func @transform_2(%arg0: i32) -> i32 {
    %c0_i32 = arith.constant 0 : i32
    %c0_i32_0 = arith.constant 0 : i32
    return %c0_i32 : i32
  }
  func.func @transform_3(%arg0: i32) -> (i32, i32, i32, i32) {
    %c0_i32 = arith.constant 0 : i32
    %c0_i32_0 = arith.constant 0 : i32
    %c0_i32_1 = arith.constant 0 : i32
    %c0_i32_2 = arith.constant 0 : i32
    return %arg0, %c0_i32, %c0_i32_0, %c0_i32_1 : i32, i32, i32, i32
  }
  func.func @transform_4(%arg0: i32) -> (i32, i32, i32) {
    %c0_i32 = arith.constant 0 : i32
    %c0_i32_0 = arith.constant 0 : i32
    %c0_i32_1 = arith.constant 0 : i32
    return %arg0, %c0_i32, %c0_i32_0 : i32, i32, i32
  }
  func.func @transform_5(%arg0: i32) -> (i32, i32, i32) {
    %c0_i32 = arith.constant 0 : i32
    %c0_i32_0 = arith.constant 0 : i32
    %c0_i32_1 = arith.constant 0 : i32
    return %arg0, %c0_i32, %c0_i32_0 : i32, i32, i32
  }
  func.func @transform_6(%arg0: i32) -> (i32, i32, i32) {
    %c0_i32 = arith.constant 0 : i32
    %c0_i32_0 = arith.constant 0 : i32
    %c0_i32_1 = arith.constant 0 : i32
    return %arg0, %c0_i32, %c0_i32_0 : i32, i32, i32
  }
  func.func @transform_7(%arg0: i32) -> (i32, i32, i32, i32) {
    %c0_i32 = arith.constant 0 : i32
    %c0_i32_0 = arith.constant 0 : i32
    %c0_i32_1 = arith.constant 0 : i32
    %c0_i32_2 = arith.constant 0 : i32
    return %arg0, %c0_i32, %c0_i32_0, %c0_i32_1 : i32, i32, i32, i32
  }
  func.func @transform_8(%arg0: i32) -> (i32, i32, i32) {
    %c0_i32 = arith.constant 0 : i32
    %c0_i32_0 = arith.constant 0 : i32
    %c0_i32_1 = arith.constant 0 : i32
    return %arg0, %c0_i32, %c0_i32_0 : i32, i32, i32
  }
  func.func @transform_9(%arg0: i32) -> (i32, i32) {
    %c0_i32 = arith.constant 0 : i32
    %c0_i32_0 = arith.constant 0 : i32
    %c0_i32_1 = arith.constant 0 : i32
    return %c0_i32, %c0_i32_0 : i32, i32
  }
  func.func @transform_10(%arg0: i32) -> i32 {
    %c0_i32 = arith.constant 0 : i32
    %c0_i32_0 = arith.constant 0 : i32
    return %c0_i32 : i32
  }
  func.func @transform_11(%arg0: i32) -> (i32, i32) {
    %c0_i32 = arith.constant 0 : i32
    %c0_i32_0 = arith.constant 0 : i32
    %c0_i32_1 = arith.constant 0 : i32
    return %c0_i32, %c0_i32_0 : i32, i32
  }
  func.func @transform_12(%arg0: i32) -> i32 {
    %c0_i32 = arith.constant 0 : i32
    %c0_i32_0 = arith.constant 0 : i32
    return %c0_i32 : i32
  }
  func.func @transform_13(%arg0: i32) -> (i32, i32) {
    %c0_i32 = arith.constant 0 : i32
    %c0_i32_0 = arith.constant 0 : i32
    %c0_i32_1 = arith.constant 0 : i32
    return %c0_i32, %c0_i32_0 : i32, i32
  }
  func.func @transform_14(%arg0: i32) -> i32 {
    %c0_i32 = arith.constant 0 : i32
    %c0_i32_0 = arith.constant 0 : i32
    return %c0_i32 : i32
  }
  func.func @transform_15(%arg0: i32) -> (i32, i32) {
    %c0_i32 = arith.constant 0 : i32
    %c0_i32_0 = arith.constant 0 : i32
    %c0_i32_1 = arith.constant 0 : i32
    return %c0_i32, %c0_i32_0 : i32, i32
  }
  func.func @transform_16(%arg0: i32) -> i32 {
    %c0_i32 = arith.constant 0 : i32
    %c0_i32_0 = arith.constant 0 : i32
    return %c0_i32 : i32
  }
  func.func @transform_17(%arg0: i32) -> (i32, i32) {
    %c0_i32 = arith.constant 0 : i32
    %c0_i32_0 = arith.constant 0 : i32
    %c0_i32_1 = arith.constant 0 : i32
    return %c0_i32, %c0_i32_0 : i32, i32
  }
  func.func @transform_18(%arg0: i32) -> (i32, i32) {
    %c0_i32 = arith.constant 0 : i32
    %c0_i32_0 = arith.constant 0 : i32
    return %arg0, %c0_i32 : i32, i32
  }
}

module attributes {stable_mosaic.version = 14 : i64} {
  func.func @_k5d_body(%arg0: i32, %arg1: memref<512x7xf32, #tpu.memory_space<vmem>>, %arg2: memref<256xf32, #tpu.memory_space<vmem>>, %arg3: memref<331x128xf32, #tpu.memory_space<vmem>>, %arg4: memref<128xf32, #tpu.memory_space<vmem>>, %arg5: memref<1xf32, #tpu.memory_space<vmem>>, %arg6: memref<128x3xf32, #tpu.memory_space<vmem>>, %arg7: memref<3xf32, #tpu.memory_space<vmem>>, %arg8: memref<1024x48xf32, #tpu.memory_space<vmem>>, %arg9: memref<512x128xf32, #tpu.memory_space<vmem>>) attributes {dimension_semantics = [#tpu.dimension_semantics<arbitrary>], iteration_bounds = array<i64: 64>, scalar_prefetch = 0 : i64, scratch_operands = 0 : i64, tpu.core_type = #tpu.core_type<tc>, window_params = [{transform_indices = @transform_0, window_bounds = array<i64: 512, 7>}, {pipeline_mode = #tpu.pipeline_mode<synchronous>, transform_indices = @transform_1, window_bounds = array<i64: 256>}, {pipeline_mode = #tpu.pipeline_mode<synchronous>, transform_indices = @transform_2, window_bounds = array<i64: 331, 128>}, {pipeline_mode = #tpu.pipeline_mode<synchronous>, transform_indices = @transform_3, window_bounds = array<i64: 128>}, {pipeline_mode = #tpu.pipeline_mode<synchronous>, transform_indices = @transform_4, window_bounds = array<i64: 1>}, {pipeline_mode = #tpu.pipeline_mode<synchronous>, transform_indices = @transform_5, window_bounds = array<i64: 128, 3>}, {pipeline_mode = #tpu.pipeline_mode<synchronous>, transform_indices = @transform_6, window_bounds = array<i64: 3>}, {pipeline_mode = #tpu.pipeline_mode<synchronous>, transform_indices = @transform_7, window_bounds = array<i64: 1024, 48>}, {transform_indices = @transform_8, window_bounds = array<i64: 512, 128>}]} {
    %get3A = arith.constant 0 : index
    %get3A_0 = arith.constant 0 : index
    %get3A_1 = vector.load %arg1[%get3A, %get3A_0] : memref<512x7xf32, #tpu.memory_space<vmem>>, vector<512x7xf32>
    %slice3A = vector.extract_strided_slice %get3A_1 {offsets = [0, 3], sizes = [512, 3], strides = [1, 1]} : vector<512x7xf32> to vector<512x3xf32>
    %mul3A = arith.constant 1.000000e+00 : f32
    %mul3A_2 = vector.broadcast %mul3A : f32 to vector<512x3xf32>
    %mul3A_3 = arith.mulf %slice3A, %mul3A_2 : vector<512x3xf32>
    %mul3A_4 = arith.constant 2.000000e+00 : f32
    %mul3A_5 = vector.broadcast %mul3A_4 : f32 to vector<512x3xf32>
    %mul3A_6 = arith.mulf %slice3A, %mul3A_5 : vector<512x3xf32>
    %mul3A_7 = arith.constant 4.000000e+00 : f32
    %mul3A_8 = vector.broadcast %mul3A_7 : f32 to vector<512x3xf32>
    %mul3A_9 = arith.mulf %slice3A, %mul3A_8 : vector<512x3xf32>
    %mul3A_10 = arith.constant 8.000000e+00 : f32
    %mul3A_11 = vector.broadcast %mul3A_10 : f32 to vector<512x3xf32>
    %mul3A_12 = arith.mulf %slice3A, %mul3A_11 : vector<512x3xf32>
    %concatenate3A = tpu.concatenate %mul3A_3, %mul3A_6, %mul3A_9, %mul3A_12 in 1 : vector<512x3xf32>, vector<512x3xf32>, vector<512x3xf32>, vector<512x3xf32> -> vector<512x12xf32>
    %sin3A = math.sin %concatenate3A : vector<512x12xf32>
    %cos3A = math.cos %concatenate3A : vector<512x12xf32>
    %concatenate3A_13 = tpu.concatenate %slice3A, %sin3A, %cos3A in 1 : vector<512x3xf32>, vector<512x12xf32>, vector<512x12xf32> -> vector<512x27xf32>
    %slice3A_14 = vector.extract_strided_slice %get3A_1 {offsets = [0, 6], sizes = [512, 1], strides = [1, 1]} : vector<512x7xf32> to vector<512x1xf32>
    %iota3A = tpu.iota {dimensions = array<i32: 1>} : vector<512x1024xi32>
    %convert_element_type3A = arith.sitofp %iota3A : vector<512x1024xi32> to vector<512x1024xf32>
    %eq3A = vector.broadcast %slice3A_14 : vector<512x1xf32> to vector<512x1024xf32>
    %eq3A_15 = arith.cmpf oeq, %convert_element_type3A, %eq3A : vector<512x1024xf32>
    %convert_element_type3A_16 = arith.extui %eq3A_15 : vector<512x1024xi1> to vector<512x1024xi32>
    %convert_element_type3A_17 = arith.sitofp %convert_element_type3A_16 : vector<512x1024xi32> to vector<512x1024xf32>
    %get3A_18 = arith.constant 0 : index
    %get3A_19 = arith.constant 0 : index
    %get3A_20 = vector.load %arg8[%get3A_18, %get3A_19] : memref<1024x48xf32, #tpu.memory_space<vmem>>, vector<1024x48xf32>
    %dot_general3A = arith.constant dense<0.000000e+00> : vector<512x48xf32>
    %dot_general3A_21 = tpu.matmul %convert_element_type3A_17, %get3A_20, %dot_general3A {dimension_numbers = #tpu.dot_dimension_numbers<[1], [0], [0], [1], [0, 0, 1, 1], [], []>, transpose_lhs_hint = false} : vector<512x1024xf32>, vector<1024x48xf32>, vector<512x48xf32> -> vector<512x48xf32>
    %broadcast_in_dim3A = arith.constant 0.000000e+00 : f32
    %broadcast_in_dim3A_22 = vector.broadcast %broadcast_in_dim3A : f32 to vector<512x256xf32>
    %get3A_23 = arith.constant 0 : index
    %get3A_24 = vector.load %arg2[%get3A_23] : memref<256xf32, #tpu.memory_space<vmem>>, vector<256xf32>
    %broadcast_in_dim3A_25 = vector.shape_cast %get3A_24 : vector<256xf32> to vector<1x256xf32>
    %add3A = vector.broadcast %broadcast_in_dim3A_25 : vector<1x256xf32> to vector<512x256xf32>
    %add3A_26 = arith.addf %broadcast_in_dim3A_22, %add3A : vector<512x256xf32>
    %concatenate3A_27 = tpu.concatenate %add3A_26, %concatenate3A_13, %dot_general3A_21 in 1 : vector<512x256xf32>, vector<512x27xf32>, vector<512x48xf32> -> vector<512x331xf32>
    %get3A_28 = arith.constant 0 : index
    %get3A_29 = arith.constant 0 : index
    %get3A_30 = vector.load %arg3[%get3A_28, %get3A_29] : memref<331x128xf32, #tpu.memory_space<vmem>>, vector<331x128xf32>
    %dot_general3A_31 = arith.constant dense<0.000000e+00> : vector<512x128xf32>
    %dot_general3A_32 = tpu.matmul %concatenate3A_27, %get3A_30, %dot_general3A_31 {dimension_numbers = #tpu.dot_dimension_numbers<[1], [0], [0], [1], [0, 0, 1, 1], [], []>, transpose_lhs_hint = false} : vector<512x331xf32>, vector<331x128xf32>, vector<512x128xf32> -> vector<512x128xf32>
    %get3A_33 = arith.constant 0 : index
    %get3A_34 = vector.load %arg4[%get3A_33] : memref<128xf32, #tpu.memory_space<vmem>>, vector<128xf32>
    %broadcast_in_dim3A_35 = vector.shape_cast %get3A_34 : vector<128xf32> to vector<1x128xf32>
    %add3A_36 = vector.broadcast %broadcast_in_dim3A_35 : vector<1x128xf32> to vector<512x128xf32>
    %add3A_37 = arith.addf %dot_general3A_32, %add3A_36 : vector<512x128xf32>
    %max3A = arith.constant 0.000000e+00 : f32
    %max3A_38 = vector.broadcast %max3A : f32 to vector<512x128xf32>
    %max3A_39 = arith.maximumf %add3A_37, %max3A_38 : vector<512x128xf32>
    %get3A_40 = arith.constant 0 : index
    %get3A_41 = arith.constant 0 : index
    %get3A_42 = vector.load %arg6[%get3A_40, %get3A_41] : memref<128x3xf32, #tpu.memory_space<vmem>>, vector<128x3xf32>
    %dot_general3A_43 = arith.constant dense<0.000000e+00> : vector<512x3xf32>
    %dot_general3A_44 = tpu.matmul %max3A_39, %get3A_42, %dot_general3A_43 {dimension_numbers = #tpu.dot_dimension_numbers<[1], [0], [0], [1], [0, 0, 1, 1], [], []>, transpose_lhs_hint = false} : vector<512x128xf32>, vector<128x3xf32>, vector<512x3xf32> -> vector<512x3xf32>
    %get3A_45 = arith.constant 0 : index
    %get3A_46 = vector.load %arg7[%get3A_45] : memref<3xf32, #tpu.memory_space<vmem>>, vector<3xf32>
    %broadcast_in_dim3A_47 = vector.shape_cast %get3A_46 : vector<3xf32> to vector<1x3xf32>
    %add3A_48 = vector.broadcast %broadcast_in_dim3A_47 : vector<1x3xf32> to vector<512x3xf32>
    %add3A_49 = arith.addf %dot_general3A_44, %add3A_48 : vector<512x3xf32>
    %logistic3A = arith.negf %add3A_49 : vector<512x3xf32>
    %logistic3A_50 = math.exp %logistic3A : vector<512x3xf32>
    %logistic3A_51 = arith.constant 1.000000e+00 : f32
    %logistic3A_52 = vector.broadcast %logistic3A_51 : f32 to vector<512x3xf32>
    %logistic3A_53 = arith.addf %logistic3A_52, %logistic3A_50 : vector<512x3xf32>
    %logistic3A_54 = arith.divf %logistic3A_52, %logistic3A_53 : vector<512x3xf32>
    %broadcast_in_dim3A_55 = arith.constant 0.000000e+00 : f32
    %broadcast_in_dim3A_56 = vector.broadcast %broadcast_in_dim3A_55 : f32 to vector<512x1xf32>
    %get3A_57 = arith.constant 0 : index
    %get3A_58 = vector.load %arg5[%get3A_57] : memref<1xf32, #tpu.memory_space<vmem>>, vector<1xf32>
    %max3A_59 = arith.constant 0.000000e+00 : f32
    %max3A_60 = vector.broadcast %max3A_59 : f32 to vector<1xf32>
    %max3A_61 = arith.maximumf %get3A_58, %max3A_60 : vector<1xf32>
    %broadcast_in_dim3A_62 = vector.shape_cast %max3A_61 : vector<1xf32> to vector<1x1xf32>
    %add3A_63 = vector.broadcast %broadcast_in_dim3A_62 : vector<1x1xf32> to vector<512x1xf32>
    %add3A_64 = arith.addf %broadcast_in_dim3A_56, %add3A_63 : vector<512x1xf32>
    %broadcast_in_dim3A_65 = arith.constant 0.000000e+00 : f32
    %broadcast_in_dim3A_66 = vector.broadcast %broadcast_in_dim3A_65 : f32 to vector<512x124xf32>
    %concatenate3A_67 = tpu.concatenate %logistic3A_54, %add3A_64, %broadcast_in_dim3A_66 in 1 : vector<512x3xf32>, vector<512x1xf32>, vector<512x124xf32> -> vector<512x128xf32>
    %swap3A = arith.constant 0 : index
    %swap3A_68 = arith.constant 0 : index
    %swap3A_69 = vector.load %arg9[%swap3A, %swap3A_68] : memref<512x128xf32, #tpu.memory_space<vmem>>, vector<512x128xf32>
    tpu.vector_store %arg9[%swap3A, %swap3A_68], %concatenate3A_67 {strides = array<i32>} : memref<512x128xf32, #tpu.memory_space<vmem>>, vector<512x128xf32>,
    return
  }
  func.func @transform_0(%arg0: i32) -> (i32, i32) {
    %c0_i32 = arith.constant 0 : i32
    %c0_i32_0 = arith.constant 0 : i32
    return %arg0, %c0_i32 : i32, i32
  }
  func.func @transform_1(%arg0: i32) -> i32 {
    %c0_i32 = arith.constant 0 : i32
    %c0_i32_0 = arith.constant 0 : i32
    return %c0_i32 : i32
  }
  func.func @transform_2(%arg0: i32) -> (i32, i32) {
    %c0_i32 = arith.constant 0 : i32
    %c0_i32_0 = arith.constant 0 : i32
    %c0_i32_1 = arith.constant 0 : i32
    return %c0_i32, %c0_i32_0 : i32, i32
  }
  func.func @transform_3(%arg0: i32) -> i32 {
    %c0_i32 = arith.constant 0 : i32
    %c0_i32_0 = arith.constant 0 : i32
    return %c0_i32 : i32
  }
  func.func @transform_4(%arg0: i32) -> i32 {
    %c0_i32 = arith.constant 0 : i32
    %c0_i32_0 = arith.constant 0 : i32
    return %c0_i32 : i32
  }
  func.func @transform_5(%arg0: i32) -> (i32, i32) {
    %c0_i32 = arith.constant 0 : i32
    %c0_i32_0 = arith.constant 0 : i32
    %c0_i32_1 = arith.constant 0 : i32
    return %c0_i32, %c0_i32_0 : i32, i32
  }
  func.func @transform_6(%arg0: i32) -> i32 {
    %c0_i32 = arith.constant 0 : i32
    %c0_i32_0 = arith.constant 0 : i32
    return %c0_i32 : i32
  }
  func.func @transform_7(%arg0: i32) -> (i32, i32) {
    %c0_i32 = arith.constant 0 : i32
    %c0_i32_0 = arith.constant 0 : i32
    %c0_i32_1 = arith.constant 0 : i32
    return %c0_i32, %c0_i32_0 : i32, i32
  }
  func.func @transform_8(%arg0: i32) -> (i32, i32) {
    %c0_i32 = arith.constant 0 : i32
    %c0_i32_0 = arith.constant 0 : i32
    return %arg0, %c0_i32 : i32, i32
  }
}

module attributes {stable_mosaic.version = 14 : i64} {
  func.func @_k6_body(%arg0: i32, %arg1: memref<512x128xf32, #tpu.memory_space<vmem>>, %arg2: memref<512x128xf32, #tpu.memory_space<vmem>>, %arg3: memref<512x1xi32, #tpu.memory_space<vmem>>, %arg4: memref<512x4xf32, #tpu.memory_space<vmem>>) attributes {dimension_semantics = [#tpu.dimension_semantics<arbitrary>], iteration_bounds = array<i64: 64>, scalar_prefetch = 0 : i64, scratch_operands = 0 : i64, tpu.core_type = #tpu.core_type<tc>, window_params = [{transform_indices = @transform_0, window_bounds = array<i64: 512, 128>}, {transform_indices = @transform_1, window_bounds = array<i64: 512, 128>}, {transform_indices = @transform_2, window_bounds = array<i64: 512, 1>}, {transform_indices = @transform_3, window_bounds = array<i64: 512, 4>}]} {
    %get3A = arith.constant 0 : index
    %get3A_0 = arith.constant 0 : index
    %get3A_1 = vector.load %arg3[%get3A, %get3A_0] : memref<512x1xi32, #tpu.memory_space<vmem>>, vector<512x1xi32>
    %lt3A = arith.constant 40960 : i32
    %lt3A_2 = vector.broadcast %lt3A : i32 to vector<512x1xi32>
    %lt3A_3 = arith.cmpi slt, %get3A_1, %lt3A_2 : vector<512x1xi32>
    %get3A_4 = arith.constant 0 : index
    %get3A_5 = arith.constant 0 : index
    %get3A_6 = vector.load %arg1[%get3A_4, %get3A_5] : memref<512x128xf32, #tpu.memory_space<vmem>>, vector<512x128xf32>
    %slice3A = vector.extract_strided_slice %get3A_6 {offsets = [0, 0], sizes = [512, 4], strides = [1, 1]} : vector<512x128xf32> to vector<512x4xf32>
    %get3A_7 = arith.constant 0 : index
    %get3A_8 = arith.constant 0 : index
    %get3A_9 = vector.load %arg2[%get3A_7, %get3A_8] : memref<512x128xf32, #tpu.memory_space<vmem>>, vector<512x128xf32>
    %slice3A_10 = vector.extract_strided_slice %get3A_9 {offsets = [0, 0], sizes = [512, 4], strides = [1, 1]} : vector<512x128xf32> to vector<512x4xf32>
    %broadcast_in_dim3A = vector.shape_cast %lt3A_3 : vector<512x1xi1> to vector<512x1xi1>
    %broadcast_in_dim3A_11 = vector.broadcast %broadcast_in_dim3A : vector<512x1xi1> to vector<512x4xi1>
    %select_n3A = arith.select %broadcast_in_dim3A_11, %slice3A, %slice3A_10 : vector<512x4xi1>, vector<512x4xf32>
    %swap3A = arith.constant 0 : index
    %swap3A_12 = arith.constant 0 : index
    %swap3A_13 = vector.load %arg4[%swap3A, %swap3A_12] : memref<512x4xf32, #tpu.memory_space<vmem>>, vector<512x4xf32>
    tpu.vector_store %arg4[%swap3A, %swap3A_12], %select_n3A {strides = array<i32>} : memref<512x4xf32, #tpu.memory_space<vmem>>, vector<512x4xf32>,
    return
  }
  func.func @transform_0(%arg0: i32) -> (i32, i32) {
    %c0_i32 = arith.constant 0 : i32
    %c0_i32_0 = arith.constant 0 : i32
    return %arg0, %c0_i32 : i32, i32
  }
  func.func @transform_1(%arg0: i32) -> (i32, i32) {
    %c0_i32 = arith.constant 0 : i32
    %c0_i32_0 = arith.constant 0 : i32
    return %arg0, %c0_i32 : i32, i32
  }
  func.func @transform_2(%arg0: i32) -> (i32, i32) {
    %c0_i32 = arith.constant 0 : i32
    %c0_i32_0 = arith.constant 0 : i32
    return %arg0, %c0_i32 : i32, i32
  }
  func.func @transform_3(%arg0: i32) -> (i32, i32) {
    %c0_i32 = arith.constant 0 : i32
    %c0_i32_0 = arith.constant 0 : i32
    return %arg0, %c0_i32 : i32, i32
  }
}

</mosaic_0001>

<sc_bundles>
// kernel: gather_offload_async_start
scs
__scs_entry_jumppad:
0x0: {  	(pc) =	sbr.rel $0x88, $3  }
0x1: {  	(tag) =	ssettag $0x0;
	lr =	simm.s32 $0x1  }
0x2: {  	[smem:$0x3F88] =	sst lr;
	_ =	strace $0xD0000000  }
0x3: {  	_ = 	snop  }
0x4: {  	_ = 	snop  }
0x5: {  	_ = 	snop  }
0x6: {  	_ = 	snop  }
0x7: {  	_ = 	snop  }
__scs_overlays_trampoline_lowered:
0x8: {  	[smem:$0x3F97] =	sst s0  }
0x9: {  	[smem:$0x3F98] =	sst s1  }
0xa: {  	[smem:$0x3F99] =	sst s2  }
0xb: {  	[smem:$0x3F9A] =	sst s3  }
0xc: {  	[smem:$0x3F9B] =	sst s4  }
0xd: {  	[smem:$0x3F9C] =	sst s5  }
0xe: {  	[smem:$0x3F9D] =	sst s6  }
0xf: {  	[smem:$0x3F9E] =	sst s7  }
0x10: {  	[smem:$0x3F9F] =	sst s8  }
0x11: {  	[smem:$0x3FA0] =	sst s9;
	s0 =	simm.s32 @!p0 $0x0  }
0x12: {  	s1 =	sld [smem:$0x3F86];
	s0 =	simm.s32 @p0 $0x1  }
0x13: {  	[smem:$0x3FA1] =	sst s0;
	s0 =	simm.s32 @!p1 $0x0  }
0x14: {  	s2 =	sld [smem:$0x3F85];
	s0 =	simm.s32 @p1 $0x1  }
0x15: {  	[smem:$0x3FA2] =	sst s0;
	s0 =	simm.s32 @!p2 $0x0  }
0x16: {  	s3 =	sld [smem:$0x3FDB];
	s0 =	simm.s32 @p2 $0x1  }
0x17: {  	s4 =	simm.s32 $0x1BF5;
	[smem:$0x3FA4] =	sst s0  }
0x18: {  	s0 =	sld [smem:$0x3F87];
	_ =	swait.ge [sflag:s4], $0x0  }
0x19: {  	s7 =	sld [smem:$0x3F88]  }
0x1a: {  	s8 =	sadd.s32 $0xFFFFE003, lr  }
0x1b: {  	s9 =	sadd.s32 $0xFFFFFEF7, lr;
	s5 =	simm.s32 $0xFFFFFFFF;
	p2 =	slt.u32 s8, $0xFFFFF086  }
0x1c: {  	p1 =	slt.u32 s9, $0xF7A;
	s5 =	simm.s32 @!p2 $0x0  }
0x1d: {  	s5 =	simm.s32 @p1 $0x1;
	p0 =	seq.s32 s7, s2  }
0x1e: {  	s7 =	smul.u32 @!p0 $0xF7A, s2;
	p2 =	seq.s32 @!p0 s5, $0x0  }
0x1f: {  	s9 =	smul.u32 $0xF7A, s1;
	s8 =	simm.s32 @!p0 $0x1BF5;
	p2 =	por !p2, p0  }
0x20: {  	[sflag:s8] =	ssyncset.s32 @!p0 $0xFFFFF086;
	s6 =	sadd.s32 @!p0 s3, s7;
	s7 =	simm.s32 @!p0 $0x108  }
0x21: {  	s3 =	sadd.s32 s3, s9;
	s6 =	sadd.s32 @!p0 $0x88, s6;
	s7 =	simm.s32 @p2 $0x1082  }
0x22: {  	[simem:s7], [sflag:s8] =	dma.local @!p0 [hbm:s6], $0xF7A  }
0x23: {  	s9 =	sor.u32 $0xD0000000, s2;
	s6 =	simm.s32 $0x108;
	_ =	swait.ge @!p0 [sflag:s8], $0x0  }
0x24: {  	s3 =	sadd.s32 $0x88, s3;
	s6 =	simm.s32 @!p1 $0x1082;
	[sflag:s4] =	ssyncset.s32 $0xFFFFF086  }
0x25: {  	[simem:s6], [sflag:s4] =	dma.local [hbm:s3], $0xF7A  }
0x26: {  	[smem:$0x3F88] =	sst s1;
	(tag) =	ssettag s2;
	_ =	strace s9  }
0x27: {  	s1 =	sld [smem:$0x3F98]  }
0x28: {  	s2 =	sld [smem:$0x3F99]  }
0x29: {  	s4 =	sld [smem:$0x3F9B]  }
0x2a: {  	p0 =	seq.s32 s5, $0x0;
	s5 =	sld [smem:$0x3F9C]  }
0x2b: {  	s6 =	sld [smem:$0x3F9D]  }
0x2c: {  	s7 =	sld [smem:$0x3F9E]  }
0x2d: {  	s3 =	simm.s32 $0x108;
	s8 =	sld [smem:$0x3F9F]  }
0x2e: {  	s3 =	simm.s32 @!p0 $0x1082;
	s9 =	sld [smem:$0x3FA0]  }
0x2f: {  	lr =	sadd.s32 s0, s3;
	s0 =	sld [smem:$0x3F97]  }
0x30: {  	s3 =	sld [smem:$0x3F9A]  }
0x31: {  	[smem:$0x3FA3] =	sst s10  }
0x32: {  	s10 =	sld [smem:$0x3FA1];
	_ =	sdelay $0x3  }
0x33: {  	p0 =	seq.s32 s10, $0x1;
	s10 =	sld [smem:$0x3FA3];
	_ =	sdelay $0x3  }
0x34: {  	[smem:$0x3FA3] =	sst s10  }
0x35: {  	s10 =	sld [smem:$0x3FA2];
	_ =	sdelay $0x3  }
0x36: {  	p1 =	seq.s32 s10, $0x1;
	s10 =	sld [smem:$0x3FA3];
	_ =	sdelay $0x3  }
0x37: {  	[smem:$0x3FA3] =	sst s10  }
0x38: {  	s10 =	sld [smem:$0x3FA4]  }
0x39: {  	_ = 	snop;
	(pc) =	sbr.ind lr, $3  }
0x3a: {  	_ = 	snop  }
0x3b: {  	_ = 	snop  }
0x3c: {  	p2 =	seq.s32 s10, $0x1;
	s10 =	sld [smem:$0x3FA3]  }
0x3d: {  	_ =	shalt  }
0x3e: {  	_ =	shalt  }
0x3f: {  	_ =	shalt  }
0x40: {  	_ =	shalt  }
0x41: {  	_ =	shalt  }
0x42: {  	_ =	shalt  }
0x43: {  	_ =	shalt  }
0x44: {  	_ =	shalt  }
0x45: {  	_ =	shalt  }
0x46: {  	_ =	shalt  }
0x47: {  	_ =	shalt  }
0x48: {  	_ =	shalt  }
0x49: {  	_ =	shalt  }
0x4a: {  	_ =	shalt  }
0x4b: {  	_ =	shalt  }
0x4c: {  	_ =	shalt  }
0x4d: {  	_ =	shalt  }
0x4e: {  	_ =	shalt  }
0x4f: {  	_ =	shalt  }
0x50: {  	_ =	shalt  }
0x51: {  	_ =	shalt  }
0x52: {  	_ =	shalt  }
0x53: {  	_ =	shalt  }
0x54: {  	_ =	shalt  }
0x55: {  	_ =	shalt  }
0x56: {  	_ =	shalt  }
0x57: {  	_ =	shalt  }
0x58: {  	_ =	shalt  }
0x59: {  	_ =	shalt  }
0x5a: {  	_ =	shalt  }
0x5b: {  	_ =	shalt  }
0x5c: {  	_ =	shalt  }
0x5d: {  	_ =	shalt  }
0x5e: {  	_ =	shalt  }
0x5f: {  	_ =	shalt  }
0x60: {  	_ =	shalt  }
0x61: {  	_ =	shalt  }
0x62: {  	_ =	shalt  }
0x63: {  	_ =	shalt  }
0x64: {  	_ =	shalt  }
0x65: {  	_ =	shalt  }
0x66: {  	_ =	shalt  }
0x67: {  	_ =	shalt  }
0x68: {  	_ =	shalt  }
0x69: {  	_ =	shalt  }
0x6a: {  	_ =	shalt  }
0x6b: {  	_ =	shalt  }
0x6c: {  	_ =	shalt  }
0x6d: {  	_ =	shalt  }
0x6e: {  	_ =	shalt  }
0x6f: {  	_ =	shalt  }
0x70: {  	_ =	shalt  }
0x71: {  	_ =	shalt  }
0x72: {  	_ =	shalt  }
0x73: {  	_ =	shalt  }
0x74: {  	_ =	shalt  }
0x75: {  	_ =	shalt  }
0x76: {  	_ =	shalt  }
0x77: {  	_ =	shalt  }
0x78: {  	_ =	shalt  }
0x79: {  	_ =	shalt  }
0x7a: {  	_ =	shalt  }
0x7b: {  	_ =	shalt  }
0x7c: {  	_ =	shalt  }
0x7d: {  	_ =	shalt  }
0x7e: {  	_ =	shalt  }
0x7f: {  	_ =	shalt  }
0x80: {  	_ =	shalt  }
0x81: {  	_ =	shalt  }
0x82: {  	_ =	shalt  }
0x83: {  	_ =	shalt  }
0x84: {  	_ =	shalt  }
0x85: {  	_ =	shalt  }
0x86: {  	_ =	shalt  }
0x87: {  	_ =	shalt  }
.Lfunc_end0:
.L_simem_size_0:
called_computation_lowered:
.L_overlay_start_0:
0x88: {  	s2 =	sld [smem:$0x3FD9]  }
0x89: {  	s3 =	sld [smem:$0x3FFE];
	_ =	sdelay $0x1  }
0x8a: {  	s1 =	srdreg.scid  }
0x8b: {  	s0 =	sand.u32 $0x1, s1  }
0x8c: {  	s16 =	sshll.u32 s0, $0xA;
	s2 =	sadd.s32 s3, s2  }
0x8d: {  	s2 =	sadd.s32 s2, s16  }
0x8e: {  	[smem:$0x3FAF] =	sst s2  }
0x8f: {  	_ = 	snop  }
0x90: {  	(tm) =	ssettm $0x1  }
0x91: {  	s17 =	sld [smem:$0x3FFB];
	_ =	sdelay $0x3  }
0x92: {  	_ =	strace s17  }
0x93: {  	s2 =	sld [smem:$0x3FFC];
	_ =	sdelay $0x3  }
0x94: {  	_ =	strace s2  }
0x95: {  	s2 =	sld [smem:$0x3FFD];
	_ =	sdelay $0x3  }
0x96: {  	_ =	strace s2  }
0x97: {  	_ =	strace $0x8FFFFFFF  }
0x98: {  	s18 =	sld [smem:$0x3FDB];
	_ =	sdelay $0x1  }
0x99: {  	s19 =	simm.s32 $_scs_section_size  }
0x9a: {  	s4 =	simm.s32 $_size__tile_overlayer_lowered;
	s5 =	simm.s32 $_tile_overlayer_lowered  }
0x9b: {  	s22 =	simm.s32 $0x1BFF;
	s21 =	sshll.u32 s5, $0x1;
	s2 =	sadd.s32 s19, s18  }
0x9c: {  	s6 =	simm.s32 $0x0;
	s20 =	sshll.u32 s4, $0x1;
	s4 =	sadd.s32 s21, s2  }
0x9d: {  	[timem:s6], [sflag:s22] =	dma.local [hbm:s4], s20  }
0x9e: {  	_ =	swait.ge [sflag:s22], s20  }
0x9f: {  	s3 =	ssub.s32 $0x0, s20;
	[sflag:s22] =	ssyncset.done $0x0  }
0xa0: {  	[sflag:s22] =	ssyncadd.s32 s3;
	_ =	sdelay $0x1  }
0xa1: {  	s23 =	simm.s32 $0x1B8B  }
0xa2: {  	_ =	swait.ge [sflag:s23], $0x1  }
0xa3: {  	[sflag:s23] =	ssyncset.done $0x0  }
0xa4: {  	s25 =	simm.s32 $0x1B8E;
	s24 =	sld [smem:$0x3FFE];
	[sflag:s23] =	ssyncadd.s32 $0xFFFFFFFF  }
0xa5: {  	s26 =	simm.s32 $execute0_lowered;
	[smem:$0x3FD2] =	sst s25  }
0xa6: {  	s4 =	sshll.u32 s26, $0x1;
	_ =	strace $0x80000049;
	[dreg:$0x1] =	wrdreg $0xFFFFFFFF  }
0xa7: {  	s28 =	simm.s32 $_size_execute0_lowered;
	s2 =	sadd.s32 s2, s4;
	[dreg:$0x0] =	wrdreg $0x0  }
0xa8: {  	s4 =	sshll.u32 s28, $0x1;
	[dreg:$0x2] =	wrdreg s2  }
0xa9: {  	[dreg:$0x3] =	wrdreg s4  }
0xaa: {  	[dreg:$0x4] =	wrdreg $0xC0  }
0xab: {  	_ =	task [dreg:s6], $0x5FFFF  }
0xac: {  	[dreg:$0x1] =	wrdreg $0xFFFFFFFF  }
0xad: {  	[dreg:$0x0] =	wrdreg $0x60  }
0xae: {  	[dreg:$0x2] =	wrdreg s24  }
0xaf: {  	[dreg:$0x3] =	wrdreg $0x9  }
0xb0: {  	_ =	task.clear_ibuf [dreg:s6], $0x4FFFF;
	_ =	strace $0x90000049  }
0xb1: {  	s29 =	simm.s32 $0x9;
	_ =	strace $0x8000004B  }
0xb2: {  	_ =	swait.ge [sflag:s29], $0x1  }
0xb3: {  	[sflag:s29] =	ssyncadd.s32 $0xFFFFFFFF  }
0xb4: {  	_ =	strace $0x9000004B  }
0xb5: {  	_ =	sfence  }
0xb6: {  	s30 =	sld [smem:$0x0];
	_ =	sdelay $0x2  }
0xb7: {  	s31 =	sshll.u32 s1, $0xD;
	s1 =	sshrl.u32 s1, $0x2  }
0xb8: {  	s3 =	sand.u32 $0x4000, s31;
	s1 =	sadd.s32 s1, s30  }
0xb9: {  	s0 =	sor.u32 s3, s0;
	s1 =	sshll.u32 s1, $0x11  }
0xba: {  	s0 =	sor.u32 s1, s0  }
0xbb: {  	s0 =	sadd.s32 $0x8F2B, s0  }
0xbc: {  	[sflag:s0] =	ssyncadd.remote.s32 $0x1  }
0xbd: {  	_ =	sfence.sel $0xFFFF  }
0xbe: {  	[dreg:$0x0] =	wrdreg $0xFFFFFFFF;
	(pc) =	sbr.abs _section_cstart, $3  }
0xbf: {  	[dreg:$0x1] =	wrdreg $0xFFFFFFFF  }
0xc0: {  	_ =	task.clear_ibuf [dreg:s6], $0x2FFFF;
	_ =	strace $0x9FFFFFFF  }
0xc1: {  	(tm) =	ssettm $0x7FFFFFFF  }
tec
execute0_lowered:
.L_overlay_start_1:
0x0: {  	(tag) =	ssettag $0x1  }
0x1: {  	s7 =	rddreg [dreg:$0x0]  }
0x2: {  	s0 =	rddreg [dreg:$0x1];
	_ =	strace $0x8000004A  }
0x3: {  	s1 =	srdreg.scid;
	s4 =	simm.s32 $0x1;
	s9 =	simm.s32 $0x3  }
0x4: {  	s11 =	simm.s32 $0x0;
	p0 =	por $0x0, $0x0;
	s5 =	sshll.u32 s1, $0x4  }
.Ltmp0:
0x5: {  	s1 =	stileid.u32;
	s5 =	sand.u32 $0x10, s5;
	(pc) =	sbr.rel .LBB2_1-.Ltmp0, $4  }
0x6: {  	s2 =	sadd.s32 $0x184800, s7;
	s3 =	sadd.s32 $0x84800, s7;
	s6 =	sor.u32 s1, s5  }
0x7: {  	[sflag:s4] =	ssyncpa.u1 $0x0;
	s5 =	simm.s32 $0x2;
	s6 =	sshll.u32 s6, $0xA  }
0x8: {  	s7 =	sadd.s32 $0x224800, s7;
	[sflag:s5] =	ssyncpa.u1 $0x0;
	s8 =	sadd.s32 $0x400, s6  }
0x9: {  	vm0 =	vmmov $0xff;
	vm1 =	vcmask $0x3F20;
	[sflag:s9] =	ssyncpa.u1 $0x0;
	s10 =	smov.u32 s6;
	s9 =	simm.s32 $0x0  }
.LBB2_7:
0xa: {  	p1 =	slt.u32 s9, $0x2;
	s11 =	sadd.s32 $0x100, s10  }
0xb: {  	s13 =	smov.u32 s6;
	s9 =	sadd.s32 $0x1, s9;
	p2 =	slt.s32 s11, s8  }
0xc: {  	s13 =	smov.u32 @p2 s11;
	p2 =	sne.s32 s9, $0x6  }
.Ltmp1:
0xd: {  	_ = 	snop;
	(pc) =	sbr.rel @!p2 .LBB2_8-.Ltmp1, $4  }
0xe: {  	s12 =	simm.s32 @!p1 $0x3  }
0xf: {  	_ =	swait.ge @!p1 [sflag:s12], $0x8000  }
0x10: {  	p0 =	por !p0, !p0;
	[sflag:s12] =	ssyncset.done @!p1 $0x0  }
0x11: {  	s11 =	smov.u32 s10;
	s10 =	smov.u32 s13;
	[sflag:s12] =	ssyncadd.s32 @!p1 $0xFFFF8000  }
.LBB2_1:
0x12: {  	p1 =	sgt.u32 s9, $0x3  }
0x13: {  	s12 =	sxor.u32 @!p1 $0xFFFFFFFF, s9  }
0x14: {  	s13 =	sshrl.u32 @!p1 s10, $0x3;
	s12 =	sshll.u32 @!p1 s12, $0x8  }
0x15: {  	s14 =	sand.u32 @!p1 $0x7, s10;
	s13 =	sadd.s32 @!p1 s3, s13;
	s12 =	sand.u32 @!p1 $0x100, s12  }
0x16: {  	[tilespmem:s12], [sflag:$0x2] =	stream.linear.gather @!p1 [hbm4b:s13+s14], $0x100, $0x38;
	[tilespmem:$0x10200] =	vst v63  }
0x17: {  	p1 =	seq.s32 s9, $0x0  }
0x18: {  	p2 =	seq.s32 @!p1 s9, $0x5  }
0x19: {  	p1 =	por p1, p2  }
.Ltmp2:
0x1a: {  	_ = 	snop;
	(pc) =	sbr.rel @p1 .LBB2_7-.Ltmp2, $1  }
0x1b: {  	_ =	sdelay $0x3  }
0x1c: {  	s12 =	simm.s32 $0x1  }
0x1d: {  	_ =	swait.ge [sflag:s5], $0x100;
	s12 =	simm.s32 @!p0 $0x0  }
0x1e: {  	[sflag:s5] =	ssyncset.done $0x0;
	s14 =	sshll.u32 s12, $0x8  }
0x1f: {  	[sflag:s5] =	ssyncadd.s32 $0xFFFFFF00;
	s13 =	sadd.s32 $0x0, s14  }
0x20: {  	v0 =	vld.msk [tilespmem:s13+$0x0 ss:$0x1], $0xffff;
	_ =	sdelay $0x4  }
0x21: {  	vm2 =	vgt.s32 v0, $0x0  }
0x22: {  	v0 =	vnsel vm2, $0x0, v0  }
0x23: {  	v0 =	vmin.u32 v0, $0x9FFF  }
0x24: {  	v0 =	vshll.u32 v0, $0x4;
	_ =	sdelay $0x2  }
0x25: {  	s12 =	sshll.u32 s12, $0xF  }
0x26: {  	s12 =	sor.u32 $0x200, s12  }
0x27: {  	[tilespmem:s12], [sflag:$0x1] =	stream.indirect_vreg.gather [hbm:s2], $0x80, v0, vm0, $0x38;
	[tilespmem:$0x10200] =	vst v63  }
0x28: {  	s15 =	sadd.s32 $0x10, s14;
	s13 =	sadd.s32 $0x400, s12  }
0x29: {  	[tilespmem:s13], [sflag:$0x1] =	stream.indirect_vreg.gather [hbm:s2], $0x80, v0, vm1, $0x38;
	[tilespmem:$0x10200] =	vst v63  }
0x2a: {  	s16 =	simm.s32 $0x80;
	v0 =	vld.msk [tilespmem:s15+$0x0 ss:$0x1], $0xffff;
	s15 =	smov.u32 s12  }
.LBB2_3:
0x2b: {  	p1 =	sne.s32 s16, $0x3C0;
	_ =	sdelay $0x4  }
0x2c: {  	vm2 =	vgt.s32 v0, $0x0  }
0x2d: {  	v0 =	vnsel vm2, $0x0, v0  }
0x2e: {  	v0 =	vmin.u32 v0, $0x9FFF  }
0x2f: {  	v0 =	vshll.u32 v0, $0x4;
	_ =	sdelay $0x3  }
.Ltmp3:
0x30: {  	s17 =	sshra.s32 s16, $0x2;
	s15 =	sadd.s32 $0x800, s15;
	(pc) =	sbr.rel @p1 .LBB2_3-.Ltmp3, $4  }
0x31: {  	[tilespmem:s15], [sflag:$0x1] =	stream.indirect_vreg.gather [hbm:s2], $0x80, v0, vm0, $0x38;
	[tilespmem:$0x10200] =	vst v63  }
0x32: {  	s17 =	sadd.s32 s17, s14;
	s18 =	sadd.s32 $0x400, s15  }
0x33: {  	[tilespmem:s18], [sflag:$0x1] =	stream.indirect_vreg.gather [hbm:s2], $0x80, v0, vm1, $0x38;
	[tilespmem:$0x10200] =	vst v63  }
0x34: {  	s16 =	sadd.s32 $0x40, s16;
	v0 =	vld.msk [tilespmem:s17+$0x0 ss:$0x1], $0xffff  }
0x35: {  	_ =	sdelay $0x3  }
0x36: {  	vm2 =	vgt.s32 v0, $0x0  }
0x37: {  	v0 =	vnsel vm2, $0x0, v0  }
0x38: {  	v0 =	vmin.u32 v0, $0x9FFF  }
0x39: {  	v0 =	vshll.u32 v0, $0x4;
	_ =	sdelay $0x3  }
0x3a: {  	s14 =	sadd.s32 $0x800, s15  }
0x3b: {  	[tilespmem:s14], [sflag:$0x1] =	stream.indirect_vreg.gather [hbm:s2], $0x80, v0, vm0, $0x38;
	[tilespmem:$0x10200] =	vst v63  }
0x3c: {  	s14 =	sadd.s32 $0x400, s14  }
0x3d: {  	[tilespmem:s14], [sflag:$0x1] =	stream.indirect_vreg.gather [hbm:s2], $0x80, v0, vm1, $0x38;
	[tilespmem:$0x10200] =	vst v63  }
0x3e: {  	s11 =	sshll.u32 s11, $0x4;
	_ =	swait.ge [sflag:s4], $0x8000  }
0x3f: {  	s11 =	sadd.s32 s11, s7;
	[sflag:s4] =	ssyncset.done $0x0  }
0x40: {  	s15 =	sadd.s32 $0x0, s11;
	s14 =	simm.s32 $0x80;
	[sflag:s4] =	ssyncadd.s32 $0xFFFF8000  }
.LBB2_5:
0x41: {  	[hbm:s15] =	stream.linear.scatter [tilespmem:s12], [sflag:$0x3], $0x400, $0x38;
	[tilespmem:$0x10200] =	vst v63  }
0x42: {  	s15 =	smov.u32 s14;
	s12 =	smov.u32 s13;
	p1 =	sne.s32 s14, $0xF80  }
.Ltmp4:
0x43: {  	s14 =	sadd.s32 $0x80, s14;
	(pc) =	sbr.rel @p1 .LBB2_5-.Ltmp4, $2  }
0x44: {  	_ =	sdelay $0x2  }
0x45: {  	s13 =	sadd.s32 $0x400, s13;
	s15 =	sadd.s32 s15, s11  }
.Ltmp5:
0x46: {  	(pc) =	sbr.rel .LBB2_7-.Ltmp5, $2  }
0x47: {  	_ =	sdelay $0x2  }
0x48: {  	[hbm:s15] =	stream.linear.scatter [tilespmem:s12], [sflag:$0x3], $0x400, $0x38;
	[tilespmem:$0x10200] =	vst v63  }
.LBB2_8:
0x49: {  	_ =	sfence.sel $0x180000  }
0x4a: {  	s2 =	simm.s32 $0x2;
	[bflag:$0x0] =	sbarrier.arrive $0xFFFF  }
0x4b: {  	s30 =	simm.s32 $0x3;
	[sflag:s2] =	ssyncpa.u1 $0x1  }
0x4c: {  	s31 =	simm.s32 $0x1;
	[sflag:s30] =	ssyncpa.u1 $0x1  }
0x4d: {  	[sflag:s31] =	ssyncpa.u1 $0x1  }
0x4e: {  	p0 =	sne.s32 s1, $0x0;
	_ =	strace $0x9000004A  }
0x4f: {  	s0 =	sadd.s32 @!p0 $0x100000, s0;
	[bflag:$0x2] =	sbarrier.arrive $0xFFFF  }
0x50: {  	[sflag:s0] =	ssyncadd.tile.s32 @!p0 $0x1;
	_ =	shalt  }
.Lfunc_end2:
_tile_overlayer_lowered:
.L_overlay_start_2:
0x51: {  	(tag) =	ssettag $0x2  }
0x52: {  	s0 =	rddreg [dreg:$0x0];
	s2 =	stileid.u32  }
0x53: {  	s1 =	rddreg [dreg:$0x1];
	p0 =	sne.s32 s2, $0x0  }
0x54: {  	s3 =	rddreg [dreg:$0x2];
	[bflag:$0x3] =	sbarrier.arrive $0xFFFF;
	s2 =	simm.s32 @!p0 $0x1C01  }
0x55: {  	[timem:s3], [sflag:s2] =	dma.local @!p0 [hbm:s0], s1  }
0x56: {  	s0 =	simm.s32 @!p0 $0x1  }
0x57: {  	_ =	swait.ge @!p0 [sflag:s0], s1  }
0x58: {  	s1 =	ssub.s32 @!p0 $0x0, s1;
	[sflag:s0] =	ssyncset.done @!p0 $0x0  }
0x59: {  	[sflag:s0] =	ssyncadd.s32 @!p0 s1  }
0x5a: {  	[bflag:$0x3] =	sbarrier.arrive $0xFFFF  }
0x5b: {  	_ =	shalt  }

// kernel: kernel.7.cloned.1.call-start
scs
__scs_entry_jumppad:
0x0: {  	(pc) =	sbr.rel $0x88, $3  }
0x1: {  	(tag) =	ssettag $0x0;
	lr =	simm.s32 $0x1  }
0x2: {  	[smem:$0x3F88] =	sst lr;
	_ =	strace $0xD0000000  }
0x3: {  	_ = 	snop  }
0x4: {  	_ = 	snop  }
0x5: {  	_ = 	snop  }
0x6: {  	_ = 	snop  }
0x7: {  	_ = 	snop  }
__scs_overlays_trampoline_lowered:
0x8: {  	[smem:$0x3F97] =	sst s0  }
0x9: {  	[smem:$0x3F98] =	sst s1  }
0xa: {  	[smem:$0x3F99] =	sst s2  }
0xb: {  	[smem:$0x3F9A] =	sst s3  }
0xc: {  	[smem:$0x3F9B] =	sst s4  }
0xd: {  	[smem:$0x3F9C] =	sst s5  }
0xe: {  	[smem:$0x3F9D] =	sst s6  }
0xf: {  	[smem:$0x3F9E] =	sst s7  }
0x10: {  	[smem:$0x3F9F] =	sst s8  }
0x11: {  	[smem:$0x3FA0] =	sst s9;
	s0 =	simm.s32 @!p0 $0x0  }
0x12: {  	s1 =	sld [smem:$0x3F86];
	s0 =	simm.s32 @p0 $0x1  }
0x13: {  	[smem:$0x3FA1] =	sst s0;
	s0 =	simm.s32 @!p1 $0x0  }
0x14: {  	s2 =	sld [smem:$0x3F85];
	s0 =	simm.s32 @p1 $0x1  }
0x15: {  	[smem:$0x3FA2] =	sst s0;
	s0 =	simm.s32 @!p2 $0x0  }
0x16: {  	s3 =	sld [smem:$0x3FDB];
	s0 =	simm.s32 @p2 $0x1  }
0x17: {  	s4 =	simm.s32 $0x1BF5;
	[smem:$0x3FA4] =	sst s0  }
0x18: {  	s0 =	sld [smem:$0x3F87];
	_ =	swait.ge [sflag:s4], $0x0  }
0x19: {  	s7 =	sld [smem:$0x3F88]  }
0x1a: {  	s8 =	sadd.s32 $0xFFFFE003, lr  }
0x1b: {  	s9 =	sadd.s32 $0xFFFFFEF7, lr;
	s5 =	simm.s32 $0xFFFFFFFF;
	p2 =	slt.u32 s8, $0xFFFFF086  }
0x1c: {  	p1 =	slt.u32 s9, $0xF7A;
	s5 =	simm.s32 @!p2 $0x0  }
0x1d: {  	s5 =	simm.s32 @p1 $0x1;
	p0 =	seq.s32 s7, s2  }
0x1e: {  	s7 =	smul.u32 @!p0 $0xF7A, s2;
	p2 =	seq.s32 @!p0 s5, $0x0  }
0x1f: {  	s9 =	smul.u32 $0xF7A, s1;
	s8 =	simm.s32 @!p0 $0x1BF5;
	p2 =	por !p2, p0  }
0x20: {  	[sflag:s8] =	ssyncset.s32 @!p0 $0xFFFFF086;
	s6 =	sadd.s32 @!p0 s3, s7;
	s7 =	simm.s32 @!p0 $0x108  }
0x21: {  	s3 =	sadd.s32 s3, s9;
	s6 =	sadd.s32 @!p0 $0x88, s6;
	s7 =	simm.s32 @p2 $0x1082  }
0x22: {  	[simem:s7], [sflag:s8] =	dma.local @!p0 [hbm:s6], $0xF7A  }
0x23: {  	s9 =	sor.u32 $0xD0000000, s2;
	s6 =	simm.s32 $0x108;
	_ =	swait.ge @!p0 [sflag:s8], $0x0  }
0x24: {  	s3 =	sadd.s32 $0x88, s3;
	s6 =	simm.s32 @!p1 $0x1082;
	[sflag:s4] =	ssyncset.s32 $0xFFFFF086  }
0x25: {  	[simem:s6], [sflag:s4] =	dma.local [hbm:s3], $0xF7A  }
0x26: {  	[smem:$0x3F88] =	sst s1;
	(tag) =	ssettag s2;
	_ =	strace s9  }
0x27: {  	s1 =	sld [smem:$0x3F98]  }
0x28: {  	s2 =	sld [smem:$0x3F99]  }
0x29: {  	s4 =	sld [smem:$0x3F9B]  }
0x2a: {  	p0 =	seq.s32 s5, $0x0;
	s5 =	sld [smem:$0x3F9C]  }
0x2b: {  	s6 =	sld [smem:$0x3F9D]  }
0x2c: {  	s7 =	sld [smem:$0x3F9E]  }
0x2d: {  	s3 =	simm.s32 $0x108;
	s8 =	sld [smem:$0x3F9F]  }
0x2e: {  	s3 =	simm.s32 @!p0 $0x1082;
	s9 =	sld [smem:$0x3FA0]  }
0x2f: {  	lr =	sadd.s32 s0, s3;
	s0 =	sld [smem:$0x3F97]  }
0x30: {  	s3 =	sld [smem:$0x3F9A]  }
0x31: {  	[smem:$0x3FA3] =	sst s10  }
0x32: {  	s10 =	sld [smem:$0x3FA1];
	_ =	sdelay $0x3  }
0x33: {  	p0 =	seq.s32 s10, $0x1;
	s10 =	sld [smem:$0x3FA3];
	_ =	sdelay $0x3  }
0x34: {  	[smem:$0x3FA3] =	sst s10  }
0x35: {  	s10 =	sld [smem:$0x3FA2];
	_ =	sdelay $0x3  }
0x36: {  	p1 =	seq.s32 s10, $0x1;
	s10 =	sld [smem:$0x3FA3];
	_ =	sdelay $0x3  }
0x37: {  	[smem:$0x3FA3] =	sst s10  }
0x38: {  	s10 =	sld [smem:$0x3FA4]  }
0x39: {  	_ = 	snop;
	(pc) =	sbr.ind lr, $3  }
0x3a: {  	_ = 	snop  }
0x3b: {  	_ = 	snop  }
0x3c: {  	p2 =	seq.s32 s10, $0x1;
	s10 =	sld [smem:$0x3FA3]  }
0x3d: {  	_ =	shalt  }
0x3e: {  	_ =	shalt  }
0x3f: {  	_ =	shalt  }
0x40: {  	_ =	shalt  }
0x41: {  	_ =	shalt  }
0x42: {  	_ =	shalt  }
0x43: {  	_ =	shalt  }
0x44: {  	_ =	shalt  }
0x45: {  	_ =	shalt  }
0x46: {  	_ =	shalt  }
0x47: {  	_ =	shalt  }
0x48: {  	_ =	shalt  }
0x49: {  	_ =	shalt  }
0x4a: {  	_ =	shalt  }
0x4b: {  	_ =	shalt  }
0x4c: {  	_ =	shalt  }
0x4d: {  	_ =	shalt  }
0x4e: {  	_ =	shalt  }
0x4f: {  	_ =	shalt  }
0x50: {  	_ =	shalt  }
0x51: {  	_ =	shalt  }
0x52: {  	_ =	shalt  }
0x53: {  	_ =	shalt  }
0x54: {  	_ =	shalt  }
0x55: {  	_ =	shalt  }
0x56: {  	_ =	shalt  }
0x57: {  	_ =	shalt  }
0x58: {  	_ =	shalt  }
0x59: {  	_ =	shalt  }
0x5a: {  	_ =	shalt  }
0x5b: {  	_ =	shalt  }
0x5c: {  	_ =	shalt  }
0x5d: {  	_ =	shalt  }
0x5e: {  	_ =	shalt  }
0x5f: {  	_ =	shalt  }
0x60: {  	_ =	shalt  }
0x61: {  	_ =	shalt  }
0x62: {  	_ =	shalt  }
0x63: {  	_ =	shalt  }
0x64: {  	_ =	shalt  }
0x65: {  	_ =	shalt  }
0x66: {  	_ =	shalt  }
0x67: {  	_ =	shalt  }
0x68: {  	_ =	shalt  }
0x69: {  	_ =	shalt  }
0x6a: {  	_ =	shalt  }
0x6b: {  	_ =	shalt  }
0x6c: {  	_ =	shalt  }
0x6d: {  	_ =	shalt  }
0x6e: {  	_ =	shalt  }
0x6f: {  	_ =	shalt  }
0x70: {  	_ =	shalt  }
0x71: {  	_ =	shalt  }
0x72: {  	_ =	shalt  }
0x73: {  	_ =	shalt  }
0x74: {  	_ =	shalt  }
0x75: {  	_ =	shalt  }
0x76: {  	_ =	shalt  }
0x77: {  	_ =	shalt  }
0x78: {  	_ =	shalt  }
0x79: {  	_ =	shalt  }
0x7a: {  	_ =	shalt  }
0x7b: {  	_ =	shalt  }
0x7c: {  	_ =	shalt  }
0x7d: {  	_ =	shalt  }
0x7e: {  	_ =	shalt  }
0x7f: {  	_ =	shalt  }
0x80: {  	_ =	shalt  }
0x81: {  	_ =	shalt  }
0x82: {  	_ =	shalt  }
0x83: {  	_ =	shalt  }
0x84: {  	_ =	shalt  }
0x85: {  	_ =	shalt  }
0x86: {  	_ =	shalt  }
0x87: {  	_ =	shalt  }
.Lfunc_end0:
.L_simem_size_0:
called_computation.1_lowered:
.L_overlay_start_0:
0x88: {  	s2 =	sld [smem:$0x3FD9]  }
0x89: {  	s3 =	sld [smem:$0x3FFE];
	_ =	sdelay $0x1  }
0x8a: {  	s1 =	srdreg.scid  }
0x8b: {  	s0 =	sand.u32 $0x1, s1  }
0x8c: {  	s17 =	sshll.u32 s0, $0xA;
	s2 =	sadd.s32 s3, s2  }
0x8d: {  	s2 =	sadd.s32 s2, s17  }
0x8e: {  	[smem:$0x3FAF] =	sst s2  }
0x8f: {  	_ = 	snop  }
0x90: {  	s2 =	sld [smem:$0x3FD0];
	(tm) =	ssettm $0x1  }
0x91: {  	s18 =	sld [smem:$0x3FFB];
	_ =	sdelay $0x3  }
0x92: {  	_ =	strace s18  }
0x93: {  	s3 =	sld [smem:$0x3FFC];
	_ =	sdelay $0x3  }
0x94: {  	_ =	strace s3  }
0x95: {  	s3 =	sld [smem:$0x3FFD];
	_ =	sdelay $0x3  }
0x96: {  	_ =	strace s3  }
0x97: {  	_ =	strace $0x8FFFFFFF  }
0x98: {  	s19 =	sld [smem:$0x3FDB];
	_ =	sdelay $0x1  }
0x99: {  	s4 =	simm.s32 $_scs_section_size  }
0x9a: {  	s5 =	simm.s32 $_size__tile_overlayer_lowered;
	s6 =	simm.s32 $_tile_overlayer_lowered  }
0x9b: {  	s22 =	simm.s32 $0x1BFF;
	s21 =	sshll.u32 s6, $0x1;
	s3 =	sadd.s32 s4, s19  }
0x9c: {  	s7 =	simm.s32 $0x0;
	s20 =	sshll.u32 s5, $0x1;
	s5 =	sadd.s32 s21, s3  }
0x9d: {  	[timem:s7], [sflag:s22] =	dma.local [hbm:s5], s20  }
0x9e: {  	_ =	swait.ge [sflag:s22], s20  }
0x9f: {  	s4 =	ssub.s32 $0x0, s20;
	[sflag:s22] =	ssyncset.done $0x0  }
0xa0: {  	[sflag:s22] =	ssyncadd.s32 s4;
	_ =	sdelay $0x1  }
0xa1: {  	s23 =	simm.s32 $0x1B8B  }
0xa2: {  	_ =	swait.ge [sflag:s23], $0x1  }
0xa3: {  	[sflag:s23] =	ssyncset.done $0x0  }
0xa4: {  	s25 =	simm.s32 $0x1B8E;
	s24 =	sld [smem:$0x3FFE];
	[sflag:s23] =	ssyncadd.s32 $0xFFFFFFFF  }
0xa5: {  	s26 =	simm.s32 $execute0_lowered;
	[smem:$0x3FD2] =	sst s25  }
0xa6: {  	s5 =	sshll.u32 s26, $0x1;
	_ =	strace $0x80000046;
	[dreg:$0x1] =	wrdreg $0xFFFFFFFF  }
0xa7: {  	s28 =	simm.s32 $_size_execute0_lowered;
	s3 =	sadd.s32 s3, s5;
	[dreg:$0x0] =	wrdreg $0x0  }
0xa8: {  	s5 =	sshll.u32 s28, $0x1;
	[dreg:$0x2] =	wrdreg s3  }
0xa9: {  	[dreg:$0x3] =	wrdreg s5  }
0xaa: {  	[dreg:$0x4] =	wrdreg $0xC0  }
0xab: {  	_ =	task [dreg:s7], $0x5FFFF  }
0xac: {  	[dreg:$0x1] =	wrdreg $0xFFFFFFFF  }
0xad: {  	[dreg:$0x0] =	wrdreg $0x60  }
0xae: {  	[dreg:$0x2] =	wrdreg s24  }
0xaf: {  	[dreg:$0x3] =	wrdreg s2  }
0xb0: {  	[dreg:$0x4] =	wrdreg $0x9  }
0xb1: {  	_ =	task.clear_ibuf [dreg:s7], $0x5FFFF;
	_ =	strace $0x90000046  }
0xb2: {  	s29 =	simm.s32 $0x9;
	_ =	strace $0x80000048  }
0xb3: {  	_ =	swait.ge [sflag:s29], $0x1  }
0xb4: {  	[sflag:s29] =	ssyncadd.s32 $0xFFFFFFFF  }
0xb5: {  	_ =	strace $0x90000048  }
0xb6: {  	_ =	sfence  }
0xb7: {  	s30 =	sld [smem:$0x0];
	_ =	sdelay $0x2  }
0xb8: {  	s31 =	sshll.u32 s1, $0xD;
	s1 =	sshrl.u32 s1, $0x2  }
0xb9: {  	s3 =	sand.u32 $0x4000, s31;
	s1 =	sadd.s32 s1, s30  }
0xba: {  	s0 =	sor.u32 s3, s0;
	s1 =	sshll.u32 s1, $0x11  }
0xbb: {  	s0 =	sor.u32 s1, s0  }
0xbc: {  	s0 =	sadd.s32 $0x8F2B, s0  }
0xbd: {  	[sflag:s0] =	ssyncadd.remote.s32 $0x1  }
0xbe: {  	_ =	sfence.sel $0xFFFF  }
0xbf: {  	[dreg:$0x0] =	wrdreg $0xFFFFFFFF;
	(pc) =	sbr.abs _section_cstart, $3  }
0xc0: {  	[dreg:$0x1] =	wrdreg $0xFFFFFFFF  }
0xc1: {  	_ =	task.clear_ibuf [dreg:s7], $0x2FFFF;
	_ =	strace $0x9FFFFFFF  }
0xc2: {  	(tm) =	ssettm $0x7FFFFFFF  }
0xc3: {  	_ =	shalt  }
tec
execute0_lowered:
.L_overlay_start_1:
0x0: {  	(tag) =	ssettag $0x1  }
0x1: {  	s12 =	rddreg [dreg:$0x0]  }
0x2: {  	s1 =	srdreg.scid;
	s0 =	stileid.u32  }
0x3: {  	s3 =	rddreg [dreg:$0x1];
	s26 =	sand.u32 $0x1, s1;
	s4 =	sshll.u32 s0, $0x1  }
0x4: {  	s2 =	simm.s32 $0x0;
	s1 =	rddreg [dreg:$0x2];
	s5 =	sor.u32 s26, s4  }
0x5: {  	[smem:$0x7FF] =	sst s2;
	s4 =	sshll.u32 s5, $0x7  }
0x6: {  	_ =	strace $0x80000047;
	s3 =	sadd.s32 s3, s4;
	s4 =	simm.s32 $0x3  }
0x7: {  	[tilespmem:s2], [sflag:$0x3] =	stream.linear.gather [hbm4b:s3+s2], $0x400, $0x38;
	[tilespmem:$0xC400] =	vst v63  }
0x8: {  	s5 =	sshll.u32 s5, $0xE;
	_ =	swait.ge [sflag:s4], $0x400  }
0x9: {  	s24 =	sadd.s32 s5, s12;
	[sflag:s4] =	ssyncset.done $0x0  }
0xa: {  	s6 =	simm.s32 $0x400;
	s5 =	sadd.s32 $0x184800, s24;
	[sflag:s4] =	ssyncadd.s32 $0xFFFFFC00  }
0xb: {  	[tilespmem:s6], [sflag:$0x1] =	stream.linear.gather [hbm4b:s5+s2], $0x4000, $0x38;
	[tilespmem:$0xC400] =	vst v63  }
0xc: {  	s8 =	simm.s32 $0x4400;
	s7 =	sadd.s32 $0x185000, s24  }
0xd: {  	[tilespmem:s8], [sflag:$0x1] =	stream.linear.gather [hbm4b:s7+s2], $0x4000, $0x38;
	[tilespmem:$0xC400] =	vst v63  }
0xe: {  	s10 =	simm.s32 $0x8400;
	s11 =	simm.s32 $0x1;
	s9 =	sadd.s32 $0x185800, s24  }
0xf: {  	[tilespmem:s10], [sflag:$0x1] =	stream.linear.gather [hbm4b:s9+s2], $0x4000, $0x38;
	[tilespmem:$0xC400] =	vst v63  }
0x10: {  	_ =	swait.ge [sflag:s11], $0x4000  }
0x11: {  	[sflag:s11] =	ssyncset.done $0x0  }
0x12: {  	s13 =	simm.s32 $0x80;
	s12 =	sadd.s32 $0x204800, s12;
	[sflag:s11] =	ssyncadd.s32 $0xFFFFC000  }
0x13: {  	[hbm4b:s12+s13] =	stream.indirect.scatter [tilespmem:s6], [sflag:$0x2], $0x80, s2, s13, $0xb8;
	[tilespmem:$0xC400] =	vst v63  }
0x14: {  	_ =	swait.ge [sflag:s11], $0x4000  }
0x15: {  	[sflag:s11] =	ssyncset.done $0x0  }
0x16: {  	[sflag:s11] =	ssyncadd.s32 $0xFFFFC000  }
0x17: {  	[hbm4b:s12+s13] =	stream.indirect.scatter [tilespmem:s8], [sflag:$0x2], $0x80, s13, s13, $0xb8;
	[tilespmem:$0xC400] =	vst v63  }
0x18: {  	_ =	swait.ge [sflag:s11], $0x4000  }
0x19: {  	[sflag:s11] =	ssyncset.done $0x0  }
0x1a: {  	s15 =	simm.s32 $0x100;
	s14 =	simm.s32 $0x2;
	[sflag:s11] =	ssyncadd.s32 $0xFFFFC000  }
0x1b: {  	[hbm4b:s12+s13] =	stream.indirect.scatter [tilespmem:s10], [sflag:$0x2], $0x80, s15, s13, $0xb8;
	[tilespmem:$0xC400] =	vst v63  }
0x1c: {  	_ =	swait.ge [sflag:s14], $0x4000  }
0x1d: {  	[sflag:s14] =	ssyncset.done $0x0  }
0x1e: {  	s16 =	sadd.s32 $0x186000, s24;
	[sflag:s14] =	ssyncadd.s32 $0xFFFFC000  }
0x1f: {  	[tilespmem:s6], [sflag:$0x1] =	stream.linear.gather [hbm4b:s16+s2], $0x4000, $0x38;
	[tilespmem:$0xC400] =	vst v63  }
0x20: {  	_ =	swait.ge [sflag:s11], $0x4000  }
0x21: {  	[sflag:s11] =	ssyncset.done $0x0  }
0x22: {  	s17 =	simm.s32 $0x180;
	[sflag:s11] =	ssyncadd.s32 $0xFFFFC000  }
0x23: {  	[hbm4b:s12+s13] =	stream.indirect.scatter [tilespmem:s6], [sflag:$0x2], $0x80, s17, s13, $0xb8;
	[tilespmem:$0xC400] =	vst v63  }
0x24: {  	_ =	swait.ge [sflag:s14], $0x4000  }
0x25: {  	[sflag:s14] =	ssyncset.done $0x0  }
0x26: {  	s18 =	sadd.s32 $0x186800, s24;
	[sflag:s14] =	ssyncadd.s32 $0xFFFFC000  }
0x27: {  	[tilespmem:s8], [sflag:$0x1] =	stream.linear.gather [hbm4b:s18+s2], $0x4000, $0x38;
	[tilespmem:$0xC400] =	vst v63  }
0x28: {  	_ =	swait.ge [sflag:s11], $0x4000  }
0x29: {  	[sflag:s11] =	ssyncset.done $0x0  }
0x2a: {  	s19 =	simm.s32 $0x200;
	[sflag:s11] =	ssyncadd.s32 $0xFFFFC000  }
0x2b: {  	[hbm4b:s12+s13] =	stream.indirect.scatter [tilespmem:s8], [sflag:$0x2], $0x80, s19, s13, $0xb8;
	[tilespmem:$0xC400] =	vst v63  }
0x2c: {  	_ =	swait.ge [sflag:s14], $0x4000  }
0x2d: {  	[sflag:s14] =	ssyncset.done $0x0  }
0x2e: {  	s20 =	sadd.s32 $0x187000, s24;
	[sflag:s14] =	ssyncadd.s32 $0xFFFFC000  }
0x2f: {  	[tilespmem:s10], [sflag:$0x1] =	stream.linear.gather [hbm4b:s20+s2], $0x4000, $0x38;
	[tilespmem:$0xC400] =	vst v63  }
0x30: {  	_ =	swait.ge [sflag:s11], $0x4000  }
0x31: {  	[sflag:s11] =	ssyncset.done $0x0  }
0x32: {  	s21 =	simm.s32 $0x280;
	[sflag:s11] =	ssyncadd.s32 $0xFFFFC000  }
0x33: {  	[hbm4b:s12+s13] =	stream.indirect.scatter [tilespmem:s10], [sflag:$0x2], $0x80, s21, s13, $0xb8;
	[tilespmem:$0xC400] =	vst v63  }
0x34: {  	_ =	swait.ge [sflag:s14], $0x4000  }
0x35: {  	[sflag:s14] =	ssyncset.done $0x0  }
0x36: {  	s22 =	sadd.s32 $0x187800, s24;
	[sflag:s14] =	ssyncadd.s32 $0xFFFFC000  }
0x37: {  	[tilespmem:s6], [sflag:$0x1] =	stream.linear.gather [hbm4b:s22+s2], $0x4000, $0x38;
	[tilespmem:$0xC400] =	vst v63  }
0x38: {  	_ =	swait.ge [sflag:s11], $0x4000  }
0x39: {  	[sflag:s11] =	ssyncset.done $0x0  }
0x3a: {  	s23 =	simm.s32 $0x300;
	[sflag:s11] =	ssyncadd.s32 $0xFFFFC000  }
0x3b: {  	[hbm4b:s12+s13] =	stream.indirect.scatter [tilespmem:s6], [sflag:$0x2], $0x80, s23, s13, $0xb8;
	[tilespmem:$0xC400] =	vst v63  }
0x3c: {  	_ =	swait.ge [sflag:s14], $0x4000  }
0x3d: {  	[sflag:s14] =	ssyncset.done $0x0  }
0x3e: {  	s24 =	sadd.s32 $0x188000, s24;
	[sflag:s14] =	ssyncadd.s32 $0xFFFFC000  }
0x3f: {  	[tilespmem:s8], [sflag:$0x1] =	stream.linear.gather [hbm4b:s24+s2], $0x4000, $0x38;
	[tilespmem:$0xC400] =	vst v63  }
0x40: {  	_ =	swait.ge [sflag:s11], $0x4000  }
0x41: {  	s26 =	ssub.s32 $0x2, s26;
	[sflag:s11] =	ssyncset.done $0x0  }
0x42: {  	s25 =	simm.s32 $0x380;
	s28 =	sshrl.u32 s26, $0x1;
	[sflag:s11] =	ssyncadd.s32 $0xFFFFC000  }
0x43: {  	[hbm4b:s12+s13] =	stream.indirect.scatter [tilespmem:s8], [sflag:$0x2], $0x80, s25, s13, $0xb8;
	[tilespmem:$0xC400] =	vst v63  }
0x44: {  	s26 =	ssub.s32 s26, s28;
	_ =	swait.ge [sflag:s14], $0x4000  }
0x45: {  	s26 =	smax.u32 s26, $0x1;
	[sflag:s14] =	ssyncset.done $0x0  }
0x46: {  	p0 =	sne.s32 s26, $0x1;
	[sflag:s14] =	ssyncadd.s32 $0xFFFFC000  }
.Ltmp0:
0x47: {  	_ =	swait.ge [sflag:s14], $0x4000;
	(pc) =	sbr.rel @!p0 .LBB2_2-.Ltmp0, $4  }
0x48: {  	[sflag:s14] =	ssyncset.done $0x0  }
0x49: {  	[sflag:s14] =	ssyncadd.s32 $0xFFFFC000  }
0x4a: {  	_ =	swait.ge [sflag:s14], $0x4000  }
0x4b: {  	s26 =	sadd.s32 $0xFFFFFFFF, s26;
	[sflag:s14] =	ssyncset.done $0x0  }
.LBB2_1:
0x4c: {  	p0 =	sne.s32 s26, $0x1;
	s26 =	sadd.s32 $0xFFFFFFFF, s26;
	[sflag:s14] =	ssyncadd.s32 $0xFFFFC000  }
0x4d: {  	[tilespmem:s2], [sflag:$0x3] =	stream.linear.gather [hbm4b:s3+s2], $0x400, $0x38;
	[tilespmem:$0xC400] =	vst v63  }
0x4e: {  	_ =	swait.ge [sflag:s4], $0x400  }
0x4f: {  	[sflag:s4] =	ssyncset.done $0x0  }
0x50: {  	[sflag:s4] =	ssyncadd.s32 $0xFFFFFC00  }
0x51: {  	[tilespmem:s6], [sflag:$0x1] =	stream.linear.gather [hbm4b:s5+s2], $0x4000, $0x38;
	[tilespmem:$0xC400] =	vst v63  }
0x52: {  	_ = 	snop  }
0x53: {  	[tilespmem:s8], [sflag:$0x1] =	stream.linear.gather [hbm4b:s7+s2], $0x4000, $0x38;
	[tilespmem:$0xC400] =	vst v63  }
0x54: {  	_ = 	snop  }
0x55: {  	[tilespmem:s10], [sflag:$0x1] =	stream.linear.gather [hbm4b:s9+s2], $0x4000, $0x38;
	[tilespmem:$0xC400] =	vst v63  }
0x56: {  	_ =	swait.ge [sflag:s11], $0x4000  }
0x57: {  	[sflag:s11] =	ssyncset.done $0x0  }
0x58: {  	[sflag:s11] =	ssyncadd.s32 $0xFFFFC000  }
0x59: {  	[hbm4b:s12+s13] =	stream.indirect.scatter [tilespmem:s6], [sflag:$0x2], $0x80, s2, s13, $0xb8;
	[tilespmem:$0xC400] =	vst v63  }
0x5a: {  	_ =	swait.ge [sflag:s11], $0x4000  }
0x5b: {  	[sflag:s11] =	ssyncset.done $0x0  }
0x5c: {  	[sflag:s11] =	ssyncadd.s32 $0xFFFFC000  }
0x5d: {  	[hbm4b:s12+s13] =	stream.indirect.scatter [tilespmem:s8], [sflag:$0x2], $0x80, s13, s13, $0xb8;
	[tilespmem:$0xC400] =	vst v63  }
0x5e: {  	_ =	swait.ge [sflag:s11], $0x4000  }
0x5f: {  	[sflag:s11] =	ssyncset.done $0x0  }
0x60: {  	[sflag:s11] =	ssyncadd.s32 $0xFFFFC000  }
0x61: {  	[hbm4b:s12+s13] =	stream.indirect.scatter [tilespmem:s10], [sflag:$0x2], $0x80, s15, s13, $0xb8;
	[tilespmem:$0xC400] =	vst v63  }
0x62: {  	_ =	swait.ge [sflag:s14], $0x4000  }
0x63: {  	[sflag:s14] =	ssyncset.done $0x0  }
0x64: {  	[sflag:s14] =	ssyncadd.s32 $0xFFFFC000  }
0x65: {  	[tilespmem:s6], [sflag:$0x1] =	stream.linear.gather [hbm4b:s16+s2], $0x4000, $0x38;
	[tilespmem:$0xC400] =	vst v63  }
0x66: {  	_ =	swait.ge [sflag:s11], $0x4000  }
0x67: {  	[sflag:s11] =	ssyncset.done $0x0  }
0x68: {  	[sflag:s11] =	ssyncadd.s32 $0xFFFFC000  }
0x69: {  	[hbm4b:s12+s13] =	stream.indirect.scatter [tilespmem:s6], [sflag:$0x2], $0x80, s17, s13, $0xb8;
	[tilespmem:$0xC400] =	vst v63  }
0x6a: {  	_ =	swait.ge [sflag:s14], $0x4000  }
0x6b: {  	[sflag:s14] =	ssyncset.done $0x0  }
0x6c: {  	[sflag:s14] =	ssyncadd.s32 $0xFFFFC000  }
0x6d: {  	[tilespmem:s8], [sflag:$0x1] =	stream.linear.gather [hbm4b:s18+s2], $0x4000, $0x38;
	[tilespmem:$0xC400] =	vst v63  }
0x6e: {  	_ =	swait.ge [sflag:s11], $0x4000  }
0x6f: {  	[sflag:s11] =	ssyncset.done $0x0  }
0x70: {  	[sflag:s11] =	ssyncadd.s32 $0xFFFFC000  }
0x71: {  	[hbm4b:s12+s13] =	stream.indirect.scatter [tilespmem:s8], [sflag:$0x2], $0x80, s19, s13, $0xb8;
	[tilespmem:$0xC400] =	vst v63  }
0x72: {  	_ =	swait.ge [sflag:s14], $0x4000  }
0x73: {  	[sflag:s14] =	ssyncset.done $0x0  }
0x74: {  	[sflag:s14] =	ssyncadd.s32 $0xFFFFC000  }
0x75: {  	[tilespmem:s10], [sflag:$0x1] =	stream.linear.gather [hbm4b:s20+s2], $0x4000, $0x38;
	[tilespmem:$0xC400] =	vst v63  }
0x76: {  	_ =	swait.ge [sflag:s11], $0x4000  }
0x77: {  	[sflag:s11] =	ssyncset.done $0x0  }
0x78: {  	[sflag:s11] =	ssyncadd.s32 $0xFFFFC000  }
0x79: {  	[hbm4b:s12+s13] =	stream.indirect.scatter [tilespmem:s10], [sflag:$0x2], $0x80, s21, s13, $0xb8;
	[tilespmem:$0xC400] =	vst v63  }
0x7a: {  	_ =	swait.ge [sflag:s14], $0x4000  }
0x7b: {  	[sflag:s14] =	ssyncset.done $0x0  }
0x7c: {  	[sflag:s14] =	ssyncadd.s32 $0xFFFFC000  }
0x7d: {  	[tilespmem:s6], [sflag:$0x1] =	stream.linear.gather [hbm4b:s22+s2], $0x4000, $0x38;
	[tilespmem:$0xC400] =	vst v63  }
0x7e: {  	_ =	swait.ge [sflag:s11], $0x4000  }
0x7f: {  	[sflag:s11] =	ssyncset.done $0x0  }
0x80: {  	[sflag:s11] =	ssyncadd.s32 $0xFFFFC000  }
0x81: {  	[hbm4b:s12+s13] =	stream.indirect.scatter [tilespmem:s6], [sflag:$0x2], $0x80, s23, s13, $0xb8;
	[tilespmem:$0xC400] =	vst v63  }
0x82: {  	_ =	swait.ge [sflag:s14], $0x4000  }
0x83: {  	[sflag:s14] =	ssyncset.done $0x0  }
0x84: {  	[sflag:s14] =	ssyncadd.s32 $0xFFFFC000  }
0x85: {  	[tilespmem:s8], [sflag:$0x1] =	stream.linear.gather [hbm4b:s24+s2], $0x4000, $0x38;
	[tilespmem:$0xC400] =	vst v63  }
0x86: {  	_ =	swait.ge [sflag:s11], $0x4000  }
0x87: {  	[sflag:s11] =	ssyncset.done $0x0  }
0x88: {  	[sflag:s11] =	ssyncadd.s32 $0xFFFFC000  }
0x89: {  	[hbm4b:s12+s13] =	stream.indirect.scatter [tilespmem:s8], [sflag:$0x2], $0x80, s25, s13, $0xb8;
	[tilespmem:$0xC400] =	vst v63  }
0x8a: {  	_ =	swait.ge [sflag:s14], $0x4000  }
0x8b: {  	[sflag:s14] =	ssyncset.done $0x0  }
0x8c: {  	[sflag:s14] =	ssyncadd.s32 $0xFFFFC000  }
.Ltmp1:
0x8d: {  	_ =	swait.ge [sflag:s14], $0x4000;
	(pc) =	sbr.rel @p0 .LBB2_1-.Ltmp1, $4  }
0x8e: {  	[sflag:s14] =	ssyncset.done $0x0  }
0x8f: {  	[sflag:s14] =	ssyncadd.s32 $0xFFFFC000  }
0x90: {  	_ =	swait.ge [sflag:s14], $0x4000  }
0x91: {  	[sflag:s14] =	ssyncset.done $0x0  }
.LBB2_2:
0x92: {  	[sflag:s14] =	ssyncadd.s32 $0xFFFFC000  }
0x93: {  	_ =	sfence.sel $0x180000  }
0x94: {  	[bflag:$0x0] =	sbarrier.arrive $0xFFFF  }
0x95: {  	p0 =	sne.s32 s0, $0x0;
	_ =	strace $0x90000047  }
0x96: {  	s0 =	sadd.s32 @!p0 $0x100000, s1;
	[bflag:$0x2] =	sbarrier.arrive $0xFFFF  }
0x97: {  	[sflag:s0] =	ssyncadd.tile.s32 @!p0 $0x1;
	_ =	shalt  }
.Lfunc_end2:
_tile_overlayer_lowered:
.L_overlay_start_2:
0x98: {  	(tag) =	ssettag $0x2  }
0x99: {  	s0 =	rddreg [dreg:$0x0];
	s2 =	stileid.u32  }
0x9a: {  	s1 =	rddreg [dreg:$0x1];
	p0 =	sne.s32 s2, $0x0  }
0x9b: {  	s3 =	rddreg [dreg:$0x2];
	[bflag:$0x3] =	sbarrier.arrive $0xFFFF;
	s2 =	simm.s32 @!p0 $0x1C03  }
0x9c: {  	[timem:s3], [sflag:s2] =	dma.local @!p0 [hbm:s0], s1  }
0x9d: {  	s0 =	simm.s32 @!p0 $0x3  }
0x9e: {  	_ =	swait.ge @!p0 [sflag:s0], s1  }
0x9f: {  	s1 =	ssub.s32 @!p0 $0x0, s1;
	[sflag:s0] =	ssyncset.done @!p0 $0x0  }
0xa0: {  	[sflag:s0] =	ssyncadd.s32 @!p0 s1  }
0xa1: {  	[bflag:$0x3] =	sbarrier.arrive $0xFFFF  }
0xa2: {  	_ =	shalt  }

</sc_bundles>
